<compile_context>
chip_gen: v7x
topology: tpu7x:2x2x1
jax: 0.10.2.dev20260603
libtpu: 0.0.44.dev20260713+nightly
codegen_flags: <defaults>
</compile_context>

<pallas_src>
import functools

import jax
import jax.numpy as jnp
from jax import lax
from jax.experimental import pallas as pl
from jax.experimental.pallas import tpu as pltpu
from jax.experimental.pallas import tpu_sc as plsc

_B = 16384
_D = 32
_NC = 2
_NS = 16
_NW = _NC * _NS
_BPW = _B // _NW
_L = 16
_G = _BPW // _L
_DB = 4
_SL = 8
_W = 16
_NCLS = 128 // _W


def _issue_window(emb_hbm, uid, win, slot_off, voff, sem):
    base128 = pl.multiple_of(uid & -128, 128)
    cls = (uid >> 4) & (_NCLS - 1)
    dst = win.at[:, :, pl.ds(slot_off + voff, _W)]

    def mk(j):
        def br():
            pltpu.async_copy(
                emb_hbm.at[:, :, pl.ds(base128 + j * _W, _W)], dst, sem)
            return jnp.int32(0)
        return br

    lax.switch(cls, tuple(mk(j) for j in range(_NCLS)))


def _cf_body(uid_hbm, iid_hbm, uemb_hbm, iemb_hbm, out_hbm,
             uidx, iidx, win, outv, sem):
    wid = lax.axis_index("s") * _NC + lax.axis_index("c")
    base = wid * _BPW

    pltpu.sync_copy(uid_hbm.at[pl.ds(base, _BPW)], uidx.at[pl.ds(0, _BPW)])
    pltpu.sync_copy(iid_hbm.at[pl.ds(base, _BPW)], iidx.at[pl.ds(0, _BPW)])

    i16 = lax.iota(jnp.int32, _L)
    slot128 = i16 * 128

    def group(g, carry):
        i0 = g * _L

        def issue(k, c):
            p = i0 + k
            uid = uidx[pl.ds(p, _L)][0]
            iid = iidx[pl.ds(p, _L)][0]
            soff = pl.multiple_of(k * 128, 128)
            _issue_window(uemb_hbm, uid, win, soff, 0, sem)
            _issue_window(iemb_hbm, iid, win, soff, 64, sem)
            return c
        lax.fori_loop(0, _L, issue, 0)

        pltpu.make_async_copy(
            uemb_hbm.at[:, :, pl.ds(0, 512)],
            win.at[:, :, pl.ds(0, 512)], sem).wait()

        uvec = uidx[pl.ds(i0, _L)]
        ivec = iidx[pl.ds(i0, _L)]
        uix = slot128 + (uvec & (_W - 1))
        vix = slot128 + 64 + (ivec & (_W - 1))
        acc = jnp.zeros((_L,), jnp.float32)
        for db in range(_DB):
            dbf = jnp.full((_L,), db, jnp.int32)
            for dl in range(_SL):
                dlf = jnp.full((_L,), dl, jnp.int32)
                acc = acc + (plsc.load_gather(win, [dbf, dlf, uix]) *
                             plsc.load_gather(win, [dbf, dlf, vix]))
        outv[pl.ds(i0, _L)] = 1.0 / (1.0 + jnp.exp(-acc))
        return carry

    lax.fori_loop(0, _G, group, 0)

    pltpu.sync_copy(outv, out_hbm.at[pl.ds(base, _BPW)])


_cf_call = functools.partial(
    pl.kernel,
    out_type=jax.ShapeDtypeStruct((_B,), jnp.float32),
    mesh=plsc.VectorSubcoreMesh(core_axis_name="c", subcore_axis_name="s"),
    compiler_params=pltpu.CompilerParams(needs_layout_passes=False),
    scratch_types=[
        pltpu.VMEM((_BPW + _L,), jnp.int32),
        pltpu.VMEM((_BPW + _L,), jnp.int32),
        pltpu.VMEM((_DB, _SL, _L * 128), jnp.float32),
        pltpu.VMEM((_BPW,), jnp.float32),
        pltpu.SemaphoreType.DMA,
    ],
)(_cf_body)


def kernel(user_ids, item_ids, user_emb, item_emb):
    ue = user_emb.T.reshape(_DB, _SL, user_emb.shape[0])
    ie = item_emb.T.reshape(_DB, _SL, item_emb.shape[0])
    return _cf_call(user_ids, item_ids, ue, ie)

# --- scband reference (transcript-rebuilt; emitter-appended) ---
"""Pipeline reference for scband-collaborative-filtering-44899588112535 (READ-ONLY COPY).

The authoritative reference and input builder live on the scoring server;
editing this copy changes nothing except your own understanding.
"""

import jax, jax.numpy as jnp
import numpy as np

N_USERS = 1000000
N_ITEMS = 1000000
EMBED_DIM = 32
BATCH = 16384


def setup_inputs(seed: int = 0) -> dict:
    key = jax.random.key(seed)
    k1, k2, k3, k4 = jax.random.split(key, 4)
    user_ids = jax.random.randint(k1, (BATCH,), 0, N_USERS, dtype=jnp.int64) if jax.config.jax_enable_x64 else jax.random.randint(k1, (BATCH,), 0, N_USERS, dtype=jnp.int32)
    item_ids = jax.random.randint(k2, (BATCH,), 0, N_ITEMS, dtype=jnp.int32)
    user_ids = user_ids.astype(jnp.int32)
    # embedding tables initialized uniform(-0.1, 0.1) as in the torch module
    user_emb = jax.random.uniform(k3, (N_USERS, EMBED_DIM), dtype=jnp.float32, minval=-0.1, maxval=0.1)
    item_emb = jax.random.uniform(k4, (N_ITEMS, EMBED_DIM), dtype=jnp.float32, minval=-0.1, maxval=0.1)
    return {"user_ids": user_ids, "item_ids": item_ids, "user_emb": user_emb, "item_emb": item_emb}


def reference(user_ids, item_ids, user_emb, item_emb):
    u = jnp.take(user_emb, user_ids, axis=0)  # gather -> [B, D]
    v = jnp.take(item_emb, item_ids, axis=0)  # gather -> [B, D]
    return jax.nn.sigmoid(jnp.sum(u * v, axis=-1))  # [B]

if __name__ == "__main__":
    import jax
    _d = setup_inputs()
    print(jax.jit(kernel)(*tuple(_d.values())))

</pallas_src>

<mosaic_0001>
#map = affine_map<(d0, d1) -> (0)>
#map1 = affine_map<(d0, d1) -> (0, 0, 0)>
module attributes {stable_mosaic.version = 14 : i64} {
  func.func @_cf_body(%arg0: i32, %arg1: i32, %arg2: memref<16384xi32, #tpu.memory_space<hbm>>, %arg3: memref<16384xi32, #tpu.memory_space<hbm>>, %arg4: memref<4x8x1000000xf32, #tpu.memory_space<hbm>>, %arg5: memref<4x8x1000000xf32, #tpu.memory_space<hbm>>, %arg6: memref<16384xf32, #tpu.memory_space<hbm>>, %arg7: memref<528xi32, #tpu.memory_space<vmem>>, %arg8: memref<528xi32, #tpu.memory_space<vmem>>, %arg9: memref<4x8x2048xf32, #tpu.memory_space<vmem>>, %arg10: memref<512xf32, #tpu.memory_space<vmem>>, %arg11: memref<!tpu.dma_semaphore, #tpu.memory_space<semaphore_mem>>) attributes {dimension_semantics = [#tpu.dimension_semantics<core_parallel>, #tpu.dimension_semantics<subcore_parallel>], iteration_bounds = array<i64: 2, 16>, scalar_prefetch = 0 : i64, scratch_operands = 5 : i64, tpu.core_type = #tpu.core_type<sc_vector_subcore>, window_params = [{transform_indices = #map}, {transform_indices = #map}, {transform_indices = #map1}, {transform_indices = #map1}, {transform_indices = #map}]} {
    %mul3A = arith.constant 2 : i32
    %mul3A_0 = arith.muli %arg1, %mul3A : i32
    %add3A = arith.addi %mul3A_0, %arg0 : i32
    %mul3A_1 = arith.constant 512 : i32
    %mul3A_2 = arith.muli %add3A, %mul3A_1 : i32
    "tpu.region"() ({
      %run_scoped3A = tpu.sem_alloc : memref<!tpu.dma_semaphore, #tpu.memory_space<semaphore_mem>>
      %dma_start3A = arith.constant 0 : i32
      %dma_start3A_11 = tpu.memref_slice %arg7[%dma_start3A] : memref<528xi32, #tpu.memory_space<vmem>> -> memref<512xi32, #tpu.memory_space<vmem>>
      %dma_start3A_12 = tpu.memref_slice %arg2[%mul3A_2] : memref<16384xi32, #tpu.memory_space<hbm>> -> memref<512xi32, #tpu.memory_space<hbm>>
      %dma_start3A_13 = arith.constant 0 : i32
      %dma_start3A_14 = tpu.memref_slice %arg7[%dma_start3A_13] : memref<528xi32, #tpu.memory_space<vmem>> -> memref<512xi32, #tpu.memory_space<vmem>>
      %dma_start3A_15 = tpu.memref_slice %arg2[%mul3A_2] : memref<16384xi32, #tpu.memory_space<hbm>> -> memref<512xi32, #tpu.memory_space<hbm>>
      tpu.enqueue_dma source(%dma_start3A_15 : memref<512xi32, #tpu.memory_space<hbm>>) target(%dma_start3A_14 : memref<512xi32, #tpu.memory_space<vmem>>) target_semaphore(%run_scoped3A : memref<!tpu.dma_semaphore, #tpu.memory_space<semaphore_mem>>)
      %dma_wait3A = arith.constant 0 : i32
      %dma_wait3A_16 = tpu.memref_slice %arg7[%dma_wait3A] : memref<528xi32, #tpu.memory_space<vmem>> -> memref<512xi32, #tpu.memory_space<vmem>>
      %dma_wait3A_17 = tpu.memref_slice %arg2[%mul3A_2] : memref<16384xi32, #tpu.memory_space<hbm>> -> memref<512xi32, #tpu.memory_space<hbm>>
      %dma_wait3A_18 = arith.constant 0 : i32
      %dma_wait3A_19 = tpu.memref_slice %arg7[%dma_wait3A_18] : memref<528xi32, #tpu.memory_space<vmem>> -> memref<512xi32, #tpu.memory_space<vmem>>
      %dma_wait3A_20 = tpu.memref_slice %arg2[%mul3A_2] : memref<16384xi32, #tpu.memory_space<hbm>> -> memref<512xi32, #tpu.memory_space<hbm>>
      tpu.wait_dma2 semaphore(%run_scoped3A : memref<!tpu.dma_semaphore, #tpu.memory_space<semaphore_mem>>) src(%dma_wait3A_20 : memref<512xi32, #tpu.memory_space<hbm>>) dst(%dma_wait3A_19 : memref<512xi32, #tpu.memory_space<vmem>>)
      tpu.yield
    }) : () -> ()
    "tpu.region"() ({
      %run_scoped3A = tpu.sem_alloc : memref<!tpu.dma_semaphore, #tpu.memory_space<semaphore_mem>>
      %dma_start3A = arith.constant 0 : i32
      %dma_start3A_11 = tpu.memref_slice %arg8[%dma_start3A] : memref<528xi32, #tpu.memory_space<vmem>> -> memref<512xi32, #tpu.memory_space<vmem>>
      %dma_start3A_12 = tpu.memref_slice %arg3[%mul3A_2] : memref<16384xi32, #tpu.memory_space<hbm>> -> memref<512xi32, #tpu.memory_space<hbm>>
      %dma_start3A_13 = arith.constant 0 : i32
      %dma_start3A_14 = tpu.memref_slice %arg8[%dma_start3A_13] : memref<528xi32, #tpu.memory_space<vmem>> -> memref<512xi32, #tpu.memory_space<vmem>>
      %dma_start3A_15 = tpu.memref_slice %arg3[%mul3A_2] : memref<16384xi32, #tpu.memory_space<hbm>> -> memref<512xi32, #tpu.memory_space<hbm>>
      tpu.enqueue_dma source(%dma_start3A_15 : memref<512xi32, #tpu.memory_space<hbm>>) target(%dma_start3A_14 : memref<512xi32, #tpu.memory_space<vmem>>) target_semaphore(%run_scoped3A : memref<!tpu.dma_semaphore, #tpu.memory_space<semaphore_mem>>)
      %dma_wait3A = arith.constant 0 : i32
      %dma_wait3A_16 = tpu.memref_slice %arg8[%dma_wait3A] : memref<528xi32, #tpu.memory_space<vmem>> -> memref<512xi32, #tpu.memory_space<vmem>>
      %dma_wait3A_17 = tpu.memref_slice %arg3[%mul3A_2] : memref<16384xi32, #tpu.memory_space<hbm>> -> memref<512xi32, #tpu.memory_space<hbm>>
      %dma_wait3A_18 = arith.constant 0 : i32
      %dma_wait3A_19 = tpu.memref_slice %arg8[%dma_wait3A_18] : memref<528xi32, #tpu.memory_space<vmem>> -> memref<512xi32, #tpu.memory_space<vmem>>
      %dma_wait3A_20 = tpu.memref_slice %arg3[%mul3A_2] : memref<16384xi32, #tpu.memory_space<hbm>> -> memref<512xi32, #tpu.memory_space<hbm>>
      tpu.wait_dma2 semaphore(%run_scoped3A : memref<!tpu.dma_semaphore, #tpu.memory_space<semaphore_mem>>) src(%dma_wait3A_20 : memref<512xi32, #tpu.memory_space<hbm>>) dst(%dma_wait3A_19 : memref<512xi32, #tpu.memory_space<vmem>>)
      tpu.yield
    }) : () -> ()
    %iota3A = tpu.iota {dimensions = array<i32: 0>} : vector<16xi32>
    %mul3A_3 = arith.constant 128 : i32
    %mul3A_4 = vector.broadcast %mul3A_3 : i32 to vector<16xi32>
    %mul3A_5 = arith.muli %iota3A, %mul3A_4 : vector<16xi32>
    %scan3A = arith.constant 0 : i32
    %scan3A_6 = arith.constant 0 : i32
    %scan3A_7 = arith.constant 32 : i32
    %scan3A_8 = arith.addi %scan3A_6, %scan3A_7 : i32
    %scan3A_9 = arith.constant 1 : i32
    scf.for %scan3A_11 = %scan3A_6 to %scan3A_8 step %scan3A_9  : i32 {
      %mul3A_12 = arith.constant 16 : i32
      %mul3A_13 = arith.muli %scan3A_11, %mul3A_12 : i32
      %scan3A_14 = arith.constant 0 : i32
      %scan3A_15 = arith.constant 0 : i32
      %scan3A_16 = arith.constant 16 : i32
      %scan3A_17 = arith.addi %scan3A_15, %scan3A_16 : i32
      %scan3A_18 = arith.constant 1 : i32
      scf.for %scan3A_256 = %scan3A_15 to %scan3A_17 step %scan3A_18  : i32 {
        %add3A_257 = arith.addi %mul3A_13, %scan3A_256 : i32
        %get3A_258 = arith.index_cast %add3A_257 : i32 to index
        %get3A_259 = tpu.vector_load %arg7[%get3A_258] {strides = array<i32>} : memref<528xi32, #tpu.memory_space<vmem>>, vector<16xi32>,
        %slice3A = vector.extract_strided_slice %get3A_259 {offsets = [0], sizes = [1], strides = [1]} : vector<16xi32> to vector<1xi32>
        %squeeze3A = vector.extract %slice3A[0] : i32 from vector<1xi32>
        %get3A_260 = arith.index_cast %add3A_257 : i32 to index
        %get3A_261 = tpu.vector_load %arg8[%get3A_260] {strides = array<i32>} : memref<528xi32, #tpu.memory_space<vmem>>, vector<16xi32>,
        %slice3A_262 = vector.extract_strided_slice %get3A_261 {offsets = [0], sizes = [1], strides = [1]} : vector<16xi32> to vector<1xi32>
        %squeeze3A_263 = vector.extract %slice3A_262[0] : i32 from vector<1xi32>
        %mul3A_264 = arith.constant 128 : i32
        %mul3A_265 = arith.muli %scan3A_256, %mul3A_264 : i32
        %multiple_of3A = tpu.assume_multiple %mul3A_265, 128 : i32
        %and3A_266 = arith.constant -128 : i32
        %and3A_267 = arith.andi %squeeze3A, %and3A_266 : i32
        %multiple_of3A_268 = tpu.assume_multiple %and3A_267, 128 : i32
        %shift_right_arithmetic3A = arith.constant 4 : i32
        %shift_right_arithmetic3A_269 = arith.shrsi %squeeze3A, %shift_right_arithmetic3A : i32
        %and3A_270 = arith.constant 7 : i32
        %and3A_271 = arith.andi %shift_right_arithmetic3A_269, %and3A_270 : i32
        %add3A_272 = arith.constant 0 : i32
        %add3A_273 = arith.addi %multiple_of3A, %add3A_272 : i32
        %clamp3A = arith.constant 0 : i32
        %clamp3A_274 = arith.constant 7 : i32
        %clamp3A_275 = arith.maxsi %and3A_271, %clamp3A : i32
        %clamp3A_276 = arith.minsi %clamp3A_275, %clamp3A_274 : i32
        %cond3A = arith.constant 0 : i32
        %cond3A_277 = arith.cmpi ne, %clamp3A_276, %cond3A : i32
        %cond3A_278 = scf.if %cond3A_277 -> (i32) {
          %cond3A_295 = arith.constant 1 : i32
          %cond3A_296 = arith.subi %clamp3A_276, %cond3A_295 : i32
          %cond3A_297 = arith.constant 0 : i32
          %cond3A_298 = arith.cmpi ne, %cond3A_296, %cond3A_297 : i32
          %cond3A_299 = scf.if %cond3A_298 -> (i32) {
            %cond3A_300 = arith.constant 1 : i32
            %cond3A_301 = arith.subi %cond3A_296, %cond3A_300 : i32
            %cond3A_302 = arith.constant 0 : i32
            %cond3A_303 = arith.cmpi ne, %cond3A_301, %cond3A_302 : i32
            %cond3A_304 = scf.if %cond3A_303 -> (i32) {
              %cond3A_305 = arith.constant 1 : i32
              %cond3A_306 = arith.subi %cond3A_301, %cond3A_305 : i32
              %cond3A_307 = arith.constant 0 : i32
              %cond3A_308 = arith.cmpi ne, %cond3A_306, %cond3A_307 : i32
              %cond3A_309 = scf.if %cond3A_308 -> (i32) {
                %cond3A_310 = arith.constant 1 : i32
                %cond3A_311 = arith.subi %cond3A_306, %cond3A_310 : i32
                %cond3A_312 = arith.constant 0 : i32
                %cond3A_313 = arith.cmpi ne, %cond3A_311, %cond3A_312 : i32
                %cond3A_314 = scf.if %cond3A_313 -> (i32) {
                  %cond3A_315 = arith.constant 1 : i32
                  %cond3A_316 = arith.subi %cond3A_311, %cond3A_315 : i32
                  %cond3A_317 = arith.constant 0 : i32
                  %cond3A_318 = arith.cmpi ne, %cond3A_316, %cond3A_317 : i32
                  %cond3A_319 = scf.if %cond3A_318 -> (i32) {
                    %cond3A_320 = arith.constant 1 : i32
                    %cond3A_321 = arith.subi %cond3A_316, %cond3A_320 : i32
                    %cond3A_322 = arith.constant 0 : i32
                    %cond3A_323 = arith.cmpi ne, %cond3A_321, %cond3A_322 : i32
                    %cond3A_324 = scf.if %cond3A_323 -> (i32) {
                      %add3A_325 = arith.constant 112 : i32
                      %add3A_326 = arith.addi %multiple_of3A_268, %add3A_325 : i32
                      %dma_start3A = arith.constant 0 : i32
                      %dma_start3A_327 = arith.constant 0 : i32
                      %dma_start3A_328 = tpu.memref_slice %arg9[%dma_start3A, %dma_start3A_327, %add3A_273] : memref<4x8x2048xf32, #tpu.memory_space<vmem>> -> memref<4x8x16xf32, #tpu.memory_space<vmem>>
                      %dma_start3A_329 = arith.constant 0 : i32
                      %dma_start3A_330 = arith.constant 0 : i32
                      %dma_start3A_331 = tpu.memref_slice %arg4[%dma_start3A_329, %dma_start3A_330, %add3A_326] : memref<4x8x1000000xf32, #tpu.memory_space<hbm>> -> memref<4x8x16xf32, #tpu.memory_space<hbm>>
                      %dma_start3A_332 = arith.constant 0 : i32
                      %dma_start3A_333 = arith.constant 0 : i32
                      %dma_start3A_334 = tpu.memref_slice %arg9[%dma_start3A_332, %dma_start3A_333, %add3A_273] : memref<4x8x2048xf32, #tpu.memory_space<vmem>> -> memref<4x8x16xf32, #tpu.memory_space<vmem>>
                      %dma_start3A_335 = arith.constant 0 : i32
                      %dma_start3A_336 = arith.constant 0 : i32
                      %dma_start3A_337 = tpu.memref_slice %arg4[%dma_start3A_335, %dma_start3A_336, %add3A_326] : memref<4x8x1000000xf32, #tpu.memory_space<hbm>> -> memref<4x8x16xf32, #tpu.memory_space<hbm>>
                      tpu.enqueue_dma source(%dma_start3A_337 : memref<4x8x16xf32, #tpu.memory_space<hbm>>) target(%dma_start3A_334 : memref<4x8x16xf32, #tpu.memory_space<vmem>>) target_semaphore(%arg11 : memref<!tpu.dma_semaphore, #tpu.memory_space<semaphore_mem>>)
                      %cond3A_338 = arith.constant 0 : i32
                      scf.yield %cond3A_338 : i32
                    } else {
                      %add3A_325 = arith.constant 96 : i32
                      %add3A_326 = arith.addi %multiple_of3A_268, %add3A_325 : i32
                      %dma_start3A = arith.constant 0 : i32
                      %dma_start3A_327 = arith.constant 0 : i32
                      %dma_start3A_328 = tpu.memref_slice %arg9[%dma_start3A, %dma_start3A_327, %add3A_273] : memref<4x8x2048xf32, #tpu.memory_space<vmem>> -> memref<4x8x16xf32, #tpu.memory_space<vmem>>
                      %dma_start3A_329 = arith.constant 0 : i32
                      %dma_start3A_330 = arith.constant 0 : i32
                      %dma_start3A_331 = tpu.memref_slice %arg4[%dma_start3A_329, %dma_start3A_330, %add3A_326] : memref<4x8x1000000xf32, #tpu.memory_space<hbm>> -> memref<4x8x16xf32, #tpu.memory_space<hbm>>
                      %dma_start3A_332 = arith.constant 0 : i32
                      %dma_start3A_333 = arith.constant 0 : i32
                      %dma_start3A_334 = tpu.memref_slice %arg9[%dma_start3A_332, %dma_start3A_333, %add3A_273] : memref<4x8x2048xf32, #tpu.memory_space<vmem>> -> memref<4x8x16xf32, #tpu.memory_space<vmem>>
                      %dma_start3A_335 = arith.constant 0 : i32
                      %dma_start3A_336 = arith.constant 0 : i32
                      %dma_start3A_337 = tpu.memref_slice %arg4[%dma_start3A_335, %dma_start3A_336, %add3A_326] : memref<4x8x1000000xf32, #tpu.memory_space<hbm>> -> memref<4x8x16xf32, #tpu.memory_space<hbm>>
                      tpu.enqueue_dma source(%dma_start3A_337 : memref<4x8x16xf32, #tpu.memory_space<hbm>>) target(%dma_start3A_334 : memref<4x8x16xf32, #tpu.memory_space<vmem>>) target_semaphore(%arg11 : memref<!tpu.dma_semaphore, #tpu.memory_space<semaphore_mem>>)
                      %cond3A_338 = arith.constant 0 : i32
                      scf.yield %cond3A_338 : i32
                    }
                    scf.yield %cond3A_324 : i32
                  } else {
                    %add3A_320 = arith.constant 80 : i32
                    %add3A_321 = arith.addi %multiple_of3A_268, %add3A_320 : i32
                    %dma_start3A = arith.constant 0 : i32
                    %dma_start3A_322 = arith.constant 0 : i32
                    %dma_start3A_323 = tpu.memref_slice %arg9[%dma_start3A, %dma_start3A_322, %add3A_273] : memref<4x8x2048xf32, #tpu.memory_space<vmem>> -> memref<4x8x16xf32, #tpu.memory_space<vmem>>
                    %dma_start3A_324 = arith.constant 0 : i32
                    %dma_start3A_325 = arith.constant 0 : i32
                    %dma_start3A_326 = tpu.memref_slice %arg4[%dma_start3A_324, %dma_start3A_325, %add3A_321] : memref<4x8x1000000xf32, #tpu.memory_space<hbm>> -> memref<4x8x16xf32, #tpu.memory_space<hbm>>
                    %dma_start3A_327 = arith.constant 0 : i32
                    %dma_start3A_328 = arith.constant 0 : i32
                    %dma_start3A_329 = tpu.memref_slice %arg9[%dma_start3A_327, %dma_start3A_328, %add3A_273] : memref<4x8x2048xf32, #tpu.memory_space<vmem>> -> memref<4x8x16xf32, #tpu.memory_space<vmem>>
                    %dma_start3A_330 = arith.constant 0 : i32
                    %dma_start3A_331 = arith.constant 0 : i32
                    %dma_start3A_332 = tpu.memref_slice %arg4[%dma_start3A_330, %dma_start3A_331, %add3A_321] : memref<4x8x1000000xf32, #tpu.memory_space<hbm>> -> memref<4x8x16xf32, #tpu.memory_space<hbm>>
                    tpu.enqueue_dma source(%dma_start3A_332 : memref<4x8x16xf32, #tpu.memory_space<hbm>>) target(%dma_start3A_329 : memref<4x8x16xf32, #tpu.memory_space<vmem>>) target_semaphore(%arg11 : memref<!tpu.dma_semaphore, #tpu.memory_space<semaphore_mem>>)
                    %cond3A_333 = arith.constant 0 : i32
                    scf.yield %cond3A_333 : i32
                  }
                  scf.yield %cond3A_319 : i32
                } else {
                  %add3A_315 = arith.constant 64 : i32
                  %add3A_316 = arith.addi %multiple_of3A_268, %add3A_315 : i32
                  %dma_start3A = arith.constant 0 : i32
                  %dma_start3A_317 = arith.constant 0 : i32
                  %dma_start3A_318 = tpu.memref_slice %arg9[%dma_start3A, %dma_start3A_317, %add3A_273] : memref<4x8x2048xf32, #tpu.memory_space<vmem>> -> memref<4x8x16xf32, #tpu.memory_space<vmem>>
                  %dma_start3A_319 = arith.constant 0 : i32
                  %dma_start3A_320 = arith.constant 0 : i32
                  %dma_start3A_321 = tpu.memref_slice %arg4[%dma_start3A_319, %dma_start3A_320, %add3A_316] : memref<4x8x1000000xf32, #tpu.memory_space<hbm>> -> memref<4x8x16xf32, #tpu.memory_space<hbm>>
                  %dma_start3A_322 = arith.constant 0 : i32
                  %dma_start3A_323 = arith.constant 0 : i32
                  %dma_start3A_324 = tpu.memref_slice %arg9[%dma_start3A_322, %dma_start3A_323, %add3A_273] : memref<4x8x2048xf32, #tpu.memory_space<vmem>> -> memref<4x8x16xf32, #tpu.memory_space<vmem>>
                  %dma_start3A_325 = arith.constant 0 : i32
                  %dma_start3A_326 = arith.constant 0 : i32
                  %dma_start3A_327 = tpu.memref_slice %arg4[%dma_start3A_325, %dma_start3A_326, %add3A_316] : memref<4x8x1000000xf32, #tpu.memory_space<hbm>> -> memref<4x8x16xf32, #tpu.memory_space<hbm>>
                  tpu.enqueue_dma source(%dma_start3A_327 : memref<4x8x16xf32, #tpu.memory_space<hbm>>) target(%dma_start3A_324 : memref<4x8x16xf32, #tpu.memory_space<vmem>>) target_semaphore(%arg11 : memref<!tpu.dma_semaphore, #tpu.memory_space<semaphore_mem>>)
                  %cond3A_328 = arith.constant 0 : i32
                  scf.yield %cond3A_328 : i32
                }
                scf.yield %cond3A_314 : i32
              } else {
                %add3A_310 = arith.constant 48 : i32
                %add3A_311 = arith.addi %multiple_of3A_268, %add3A_310 : i32
                %dma_start3A = arith.constant 0 : i32
                %dma_start3A_312 = arith.constant 0 : i32
                %dma_start3A_313 = tpu.memref_slice %arg9[%dma_start3A, %dma_start3A_312, %add3A_273] : memref<4x8x2048xf32, #tpu.memory_space<vmem>> -> memref<4x8x16xf32, #tpu.memory_space<vmem>>
                %dma_start3A_314 = arith.constant 0 : i32
                %dma_start3A_315 = arith.constant 0 : i32
                %dma_start3A_316 = tpu.memref_slice %arg4[%dma_start3A_314, %dma_start3A_315, %add3A_311] : memref<4x8x1000000xf32, #tpu.memory_space<hbm>> -> memref<4x8x16xf32, #tpu.memory_space<hbm>>
                %dma_start3A_317 = arith.constant 0 : i32
                %dma_start3A_318 = arith.constant 0 : i32
                %dma_start3A_319 = tpu.memref_slice %arg9[%dma_start3A_317, %dma_start3A_318, %add3A_273] : memref<4x8x2048xf32, #tpu.memory_space<vmem>> -> memref<4x8x16xf32, #tpu.memory_space<vmem>>
                %dma_start3A_320 = arith.constant 0 : i32
                %dma_start3A_321 = arith.constant 0 : i32
                %dma_start3A_322 = tpu.memref_slice %arg4[%dma_start3A_320, %dma_start3A_321, %add3A_311] : memref<4x8x1000000xf32, #tpu.memory_space<hbm>> -> memref<4x8x16xf32, #tpu.memory_space<hbm>>
                tpu.enqueue_dma source(%dma_start3A_322 : memref<4x8x16xf32, #tpu.memory_space<hbm>>) target(%dma_start3A_319 : memref<4x8x16xf32, #tpu.memory_space<vmem>>) target_semaphore(%arg11 : memref<!tpu.dma_semaphore, #tpu.memory_space<semaphore_mem>>)
                %cond3A_323 = arith.constant 0 : i32
                scf.yield %cond3A_323 : i32
              }
              scf.yield %cond3A_309 : i32
            } else {
              %add3A_305 = arith.constant 32 : i32
              %add3A_306 = arith.addi %multiple_of3A_268, %add3A_305 : i32
              %dma_start3A = arith.constant 0 : i32
              %dma_start3A_307 = arith.constant 0 : i32
              %dma_start3A_308 = tpu.memref_slice %arg9[%dma_start3A, %dma_start3A_307, %add3A_273] : memref<4x8x2048xf32, #tpu.memory_space<vmem>> -> memref<4x8x16xf32, #tpu.memory_space<vmem>>
              %dma_start3A_309 = arith.constant 0 : i32
              %dma_start3A_310 = arith.constant 0 : i32
              %dma_start3A_311 = tpu.memref_slice %arg4[%dma_start3A_309, %dma_start3A_310, %add3A_306] : memref<4x8x1000000xf32, #tpu.memory_space<hbm>> -> memref<4x8x16xf32, #tpu.memory_space<hbm>>
              %dma_start3A_312 = arith.constant 0 : i32
              %dma_start3A_313 = arith.constant 0 : i32
              %dma_start3A_314 = tpu.memref_slice %arg9[%dma_start3A_312, %dma_start3A_313, %add3A_273] : memref<4x8x2048xf32, #tpu.memory_space<vmem>> -> memref<4x8x16xf32, #tpu.memory_space<vmem>>
              %dma_start3A_315 = arith.constant 0 : i32
              %dma_start3A_316 = arith.constant 0 : i32
              %dma_start3A_317 = tpu.memref_slice %arg4[%dma_start3A_315, %dma_start3A_316, %add3A_306] : memref<4x8x1000000xf32, #tpu.memory_space<hbm>> -> memref<4x8x16xf32, #tpu.memory_space<hbm>>
              tpu.enqueue_dma source(%dma_start3A_317 : memref<4x8x16xf32, #tpu.memory_space<hbm>>) target(%dma_start3A_314 : memref<4x8x16xf32, #tpu.memory_space<vmem>>) target_semaphore(%arg11 : memref<!tpu.dma_semaphore, #tpu.memory_space<semaphore_mem>>)
              %cond3A_318 = arith.constant 0 : i32
              scf.yield %cond3A_318 : i32
            }
            scf.yield %cond3A_304 : i32
          } else {
            %add3A_300 = arith.constant 16 : i32
            %add3A_301 = arith.addi %multiple_of3A_268, %add3A_300 : i32
            %dma_start3A = arith.constant 0 : i32
            %dma_start3A_302 = arith.constant 0 : i32
            %dma_start3A_303 = tpu.memref_slice %arg9[%dma_start3A, %dma_start3A_302, %add3A_273] : memref<4x8x2048xf32, #tpu.memory_space<vmem>> -> memref<4x8x16xf32, #tpu.memory_space<vmem>>
            %dma_start3A_304 = arith.constant 0 : i32
            %dma_start3A_305 = arith.constant 0 : i32
            %dma_start3A_306 = tpu.memref_slice %arg4[%dma_start3A_304, %dma_start3A_305, %add3A_301] : memref<4x8x1000000xf32, #tpu.memory_space<hbm>> -> memref<4x8x16xf32, #tpu.memory_space<hbm>>
            %dma_start3A_307 = arith.constant 0 : i32
            %dma_start3A_308 = arith.constant 0 : i32
            %dma_start3A_309 = tpu.memref_slice %arg9[%dma_start3A_307, %dma_start3A_308, %add3A_273] : memref<4x8x2048xf32, #tpu.memory_space<vmem>> -> memref<4x8x16xf32, #tpu.memory_space<vmem>>
            %dma_start3A_310 = arith.constant 0 : i32
            %dma_start3A_311 = arith.constant 0 : i32
            %dma_start3A_312 = tpu.memref_slice %arg4[%dma_start3A_310, %dma_start3A_311, %add3A_301] : memref<4x8x1000000xf32, #tpu.memory_space<hbm>> -> memref<4x8x16xf32, #tpu.memory_space<hbm>>
            tpu.enqueue_dma source(%dma_start3A_312 : memref<4x8x16xf32, #tpu.memory_space<hbm>>) target(%dma_start3A_309 : memref<4x8x16xf32, #tpu.memory_space<vmem>>) target_semaphore(%arg11 : memref<!tpu.dma_semaphore, #tpu.memory_space<semaphore_mem>>)
            %cond3A_313 = arith.constant 0 : i32
            scf.yield %cond3A_313 : i32
          }
          scf.yield %cond3A_299 : i32
        } else {
          %add3A_295 = arith.constant 0 : i32
          %add3A_296 = arith.addi %multiple_of3A_268, %add3A_295 : i32
          %dma_start3A = arith.constant 0 : i32
          %dma_start3A_297 = arith.constant 0 : i32
          %dma_start3A_298 = tpu.memref_slice %arg9[%dma_start3A, %dma_start3A_297, %add3A_273] : memref<4x8x2048xf32, #tpu.memory_space<vmem>> -> memref<4x8x16xf32, #tpu.memory_space<vmem>>
          %dma_start3A_299 = arith.constant 0 : i32
          %dma_start3A_300 = arith.constant 0 : i32
          %dma_start3A_301 = tpu.memref_slice %arg4[%dma_start3A_299, %dma_start3A_300, %add3A_296] : memref<4x8x1000000xf32, #tpu.memory_space<hbm>> -> memref<4x8x16xf32, #tpu.memory_space<hbm>>
          %dma_start3A_302 = arith.constant 0 : i32
          %dma_start3A_303 = arith.constant 0 : i32
          %dma_start3A_304 = tpu.memref_slice %arg9[%dma_start3A_302, %dma_start3A_303, %add3A_273] : memref<4x8x2048xf32, #tpu.memory_space<vmem>> -> memref<4x8x16xf32, #tpu.memory_space<vmem>>
          %dma_start3A_305 = arith.constant 0 : i32
          %dma_start3A_306 = arith.constant 0 : i32
          %dma_start3A_307 = tpu.memref_slice %arg4[%dma_start3A_305, %dma_start3A_306, %add3A_296] : memref<4x8x1000000xf32, #tpu.memory_space<hbm>> -> memref<4x8x16xf32, #tpu.memory_space<hbm>>
          tpu.enqueue_dma source(%dma_start3A_307 : memref<4x8x16xf32, #tpu.memory_space<hbm>>) target(%dma_start3A_304 : memref<4x8x16xf32, #tpu.memory_space<vmem>>) target_semaphore(%arg11 : memref<!tpu.dma_semaphore, #tpu.memory_space<semaphore_mem>>)
          %cond3A_308 = arith.constant 0 : i32
          scf.yield %cond3A_308 : i32
        }
        %and3A_279 = arith.constant -128 : i32
        %and3A_280 = arith.andi %squeeze3A_263, %and3A_279 : i32
        %multiple_of3A_281 = tpu.assume_multiple %and3A_280, 128 : i32
        %shift_right_arithmetic3A_282 = arith.constant 4 : i32
        %shift_right_arithmetic3A_283 = arith.shrsi %squeeze3A_263, %shift_right_arithmetic3A_282 : i32
        %and3A_284 = arith.constant 7 : i32
        %and3A_285 = arith.andi %shift_right_arithmetic3A_283, %and3A_284 : i32
        %add3A_286 = arith.constant 64 : i32
        %add3A_287 = arith.addi %multiple_of3A, %add3A_286 : i32
        %clamp3A_288 = arith.constant 0 : i32
        %clamp3A_289 = arith.constant 7 : i32
        %clamp3A_290 = arith.maxsi %and3A_285, %clamp3A_288 : i32
        %clamp3A_291 = arith.minsi %clamp3A_290, %clamp3A_289 : i32
        %cond3A_292 = arith.constant 0 : i32
        %cond3A_293 = arith.cmpi ne, %clamp3A_291, %cond3A_292 : i32
        %cond3A_294 = scf.if %cond3A_293 -> (i32) {
          %cond3A_295 = arith.constant 1 : i32
          %cond3A_296 = arith.subi %clamp3A_291, %cond3A_295 : i32
          %cond3A_297 = arith.constant 0 : i32
          %cond3A_298 = arith.cmpi ne, %cond3A_296, %cond3A_297 : i32
          %cond3A_299 = scf.if %cond3A_298 -> (i32) {
            %cond3A_300 = arith.constant 1 : i32
            %cond3A_301 = arith.subi %cond3A_296, %cond3A_300 : i32
            %cond3A_302 = arith.constant 0 : i32
            %cond3A_303 = arith.cmpi ne, %cond3A_301, %cond3A_302 : i32
            %cond3A_304 = scf.if %cond3A_303 -> (i32) {
              %cond3A_305 = arith.constant 1 : i32
              %cond3A_306 = arith.subi %cond3A_301, %cond3A_305 : i32
              %cond3A_307 = arith.constant 0 : i32
              %cond3A_308 = arith.cmpi ne, %cond3A_306, %cond3A_307 : i32
              %cond3A_309 = scf.if %cond3A_308 -> (i32) {
                %cond3A_310 = arith.constant 1 : i32
                %cond3A_311 = arith.subi %cond3A_306, %cond3A_310 : i32
                %cond3A_312 = arith.constant 0 : i32
                %cond3A_313 = arith.cmpi ne, %cond3A_311, %cond3A_312 : i32
                %cond3A_314 = scf.if %cond3A_313 -> (i32) {
                  %cond3A_315 = arith.constant 1 : i32
                  %cond3A_316 = arith.subi %cond3A_311, %cond3A_315 : i32
                  %cond3A_317 = arith.constant 0 : i32
                  %cond3A_318 = arith.cmpi ne, %cond3A_316, %cond3A_317 : i32
                  %cond3A_319 = scf.if %cond3A_318 -> (i32) {
                    %cond3A_320 = arith.constant 1 : i32
                    %cond3A_321 = arith.subi %cond3A_316, %cond3A_320 : i32
                    %cond3A_322 = arith.constant 0 : i32
                    %cond3A_323 = arith.cmpi ne, %cond3A_321, %cond3A_322 : i32
                    %cond3A_324 = scf.if %cond3A_323 -> (i32) {
                      %add3A_325 = arith.constant 112 : i32
                      %add3A_326 = arith.addi %multiple_of3A_281, %add3A_325 : i32
                      %dma_start3A = arith.constant 0 : i32
                      %dma_start3A_327 = arith.constant 0 : i32
                      %dma_start3A_328 = tpu.memref_slice %arg9[%dma_start3A, %dma_start3A_327, %add3A_287] : memref<4x8x2048xf32, #tpu.memory_space<vmem>> -> memref<4x8x16xf32, #tpu.memory_space<vmem>>
                      %dma_start3A_329 = arith.constant 0 : i32
                      %dma_start3A_330 = arith.constant 0 : i32
                      %dma_start3A_331 = tpu.memref_slice %arg5[%dma_start3A_329, %dma_start3A_330, %add3A_326] : memref<4x8x1000000xf32, #tpu.memory_space<hbm>> -> memref<4x8x16xf32, #tpu.memory_space<hbm>>
                      %dma_start3A_332 = arith.constant 0 : i32
                      %dma_start3A_333 = arith.constant 0 : i32
                      %dma_start3A_334 = tpu.memref_slice %arg9[%dma_start3A_332, %dma_start3A_333, %add3A_287] : memref<4x8x2048xf32, #tpu.memory_space<vmem>> -> memref<4x8x16xf32, #tpu.memory_space<vmem>>
                      %dma_start3A_335 = arith.constant 0 : i32
                      %dma_start3A_336 = arith.constant 0 : i32
                      %dma_start3A_337 = tpu.memref_slice %arg5[%dma_start3A_335, %dma_start3A_336, %add3A_326] : memref<4x8x1000000xf32, #tpu.memory_space<hbm>> -> memref<4x8x16xf32, #tpu.memory_space<hbm>>
                      tpu.enqueue_dma source(%dma_start3A_337 : memref<4x8x16xf32, #tpu.memory_space<hbm>>) target(%dma_start3A_334 : memref<4x8x16xf32, #tpu.memory_space<vmem>>) target_semaphore(%arg11 : memref<!tpu.dma_semaphore, #tpu.memory_space<semaphore_mem>>)
                      %cond3A_338 = arith.constant 0 : i32
                      scf.yield %cond3A_338 : i32
                    } else {
                      %add3A_325 = arith.constant 96 : i32
                      %add3A_326 = arith.addi %multiple_of3A_281, %add3A_325 : i32
                      %dma_start3A = arith.constant 0 : i32
                      %dma_start3A_327 = arith.constant 0 : i32
                      %dma_start3A_328 = tpu.memref_slice %arg9[%dma_start3A, %dma_start3A_327, %add3A_287] : memref<4x8x2048xf32, #tpu.memory_space<vmem>> -> memref<4x8x16xf32, #tpu.memory_space<vmem>>
                      %dma_start3A_329 = arith.constant 0 : i32
                      %dma_start3A_330 = arith.constant 0 : i32
                      %dma_start3A_331 = tpu.memref_slice %arg5[%dma_start3A_329, %dma_start3A_330, %add3A_326] : memref<4x8x1000000xf32, #tpu.memory_space<hbm>> -> memref<4x8x16xf32, #tpu.memory_space<hbm>>
                      %dma_start3A_332 = arith.constant 0 : i32
                      %dma_start3A_333 = arith.constant 0 : i32
                      %dma_start3A_334 = tpu.memref_slice %arg9[%dma_start3A_332, %dma_start3A_333, %add3A_287] : memref<4x8x2048xf32, #tpu.memory_space<vmem>> -> memref<4x8x16xf32, #tpu.memory_space<vmem>>
                      %dma_start3A_335 = arith.constant 0 : i32
                      %dma_start3A_336 = arith.constant 0 : i32
                      %dma_start3A_337 = tpu.memref_slice %arg5[%dma_start3A_335, %dma_start3A_336, %add3A_326] : memref<4x8x1000000xf32, #tpu.memory_space<hbm>> -> memref<4x8x16xf32, #tpu.memory_space<hbm>>
                      tpu.enqueue_dma source(%dma_start3A_337 : memref<4x8x16xf32, #tpu.memory_space<hbm>>) target(%dma_start3A_334 : memref<4x8x16xf32, #tpu.memory_space<vmem>>) target_semaphore(%arg11 : memref<!tpu.dma_semaphore, #tpu.memory_space<semaphore_mem>>)
                      %cond3A_338 = arith.constant 0 : i32
                      scf.yield %cond3A_338 : i32
                    }
                    scf.yield %cond3A_324 : i32
                  } else {
                    %add3A_320 = arith.constant 80 : i32
                    %add3A_321 = arith.addi %multiple_of3A_281, %add3A_320 : i32
                    %dma_start3A = arith.constant 0 : i32
                    %dma_start3A_322 = arith.constant 0 : i32
                    %dma_start3A_323 = tpu.memref_slice %arg9[%dma_start3A, %dma_start3A_322, %add3A_287] : memref<4x8x2048xf32, #tpu.memory_space<vmem>> -> memref<4x8x16xf32, #tpu.memory_space<vmem>>
                    %dma_start3A_324 = arith.constant 0 : i32
                    %dma_start3A_325 = arith.constant 0 : i32
                    %dma_start3A_326 = tpu.memref_slice %arg5[%dma_start3A_324, %dma_start3A_325, %add3A_321] : memref<4x8x1000000xf32, #tpu.memory_space<hbm>> -> memref<4x8x16xf32, #tpu.memory_space<hbm>>
                    %dma_start3A_327 = arith.constant 0 : i32
                    %dma_start3A_328 = arith.constant 0 : i32
                    %dma_start3A_329 = tpu.memref_slice %arg9[%dma_start3A_327, %dma_start3A_328, %add3A_287] : memref<4x8x2048xf32, #tpu.memory_space<vmem>> -> memref<4x8x16xf32, #tpu.memory_space<vmem>>
                    %dma_start3A_330 = arith.constant 0 : i32
                    %dma_start3A_331 = arith.constant 0 : i32
                    %dma_start3A_332 = tpu.memref_slice %arg5[%dma_start3A_330, %dma_start3A_331, %add3A_321] : memref<4x8x1000000xf32, #tpu.memory_space<hbm>> -> memref<4x8x16xf32, #tpu.memory_space<hbm>>
                    tpu.enqueue_dma source(%dma_start3A_332 : memref<4x8x16xf32, #tpu.memory_space<hbm>>) target(%dma_start3A_329 : memref<4x8x16xf32, #tpu.memory_space<vmem>>) target_semaphore(%arg11 : memref<!tpu.dma_semaphore, #tpu.memory_space<semaphore_mem>>)
                    %cond3A_333 = arith.constant 0 : i32
                    scf.yield %cond3A_333 : i32
                  }
                  scf.yield %cond3A_319 : i32
                } else {
                  %add3A_315 = arith.constant 64 : i32
                  %add3A_316 = arith.addi %multiple_of3A_281, %add3A_315 : i32
                  %dma_start3A = arith.constant 0 : i32
                  %dma_start3A_317 = arith.constant 0 : i32
                  %dma_start3A_318 = tpu.memref_slice %arg9[%dma_start3A, %dma_start3A_317, %add3A_287] : memref<4x8x2048xf32, #tpu.memory_space<vmem>> -> memref<4x8x16xf32, #tpu.memory_space<vmem>>
                  %dma_start3A_319 = arith.constant 0 : i32
                  %dma_start3A_320 = arith.constant 0 : i32
                  %dma_start3A_321 = tpu.memref_slice %arg5[%dma_start3A_319, %dma_start3A_320, %add3A_316] : memref<4x8x1000000xf32, #tpu.memory_space<hbm>> -> memref<4x8x16xf32, #tpu.memory_space<hbm>>
                  %dma_start3A_322 = arith.constant 0 : i32
                  %dma_start3A_323 = arith.constant 0 : i32
                  %dma_start3A_324 = tpu.memref_slice %arg9[%dma_start3A_322, %dma_start3A_323, %add3A_287] : memref<4x8x2048xf32, #tpu.memory_space<vmem>> -> memref<4x8x16xf32, #tpu.memory_space<vmem>>
                  %dma_start3A_325 = arith.constant 0 : i32
                  %dma_start3A_326 = arith.constant 0 : i32
                  %dma_start3A_327 = tpu.memref_slice %arg5[%dma_start3A_325, %dma_start3A_326, %add3A_316] : memref<4x8x1000000xf32, #tpu.memory_space<hbm>> -> memref<4x8x16xf32, #tpu.memory_space<hbm>>
                  tpu.enqueue_dma source(%dma_start3A_327 : memref<4x8x16xf32, #tpu.memory_space<hbm>>) target(%dma_start3A_324 : memref<4x8x16xf32, #tpu.memory_space<vmem>>) target_semaphore(%arg11 : memref<!tpu.dma_semaphore, #tpu.memory_space<semaphore_mem>>)
                  %cond3A_328 = arith.constant 0 : i32
                  scf.yield %cond3A_328 : i32
                }
                scf.yield %cond3A_314 : i32
              } else {
                %add3A_310 = arith.constant 48 : i32
                %add3A_311 = arith.addi %multiple_of3A_281, %add3A_310 : i32
                %dma_start3A = arith.constant 0 : i32
                %dma_start3A_312 = arith.constant 0 : i32
                %dma_start3A_313 = tpu.memref_slice %arg9[%dma_start3A, %dma_start3A_312, %add3A_287] : memref<4x8x2048xf32, #tpu.memory_space<vmem>> -> memref<4x8x16xf32, #tpu.memory_space<vmem>>
                %dma_start3A_314 = arith.constant 0 : i32
                %dma_start3A_315 = arith.constant 0 : i32
                %dma_start3A_316 = tpu.memref_slice %arg5[%dma_start3A_314, %dma_start3A_315, %add3A_311] : memref<4x8x1000000xf32, #tpu.memory_space<hbm>> -> memref<4x8x16xf32, #tpu.memory_space<hbm>>
                %dma_start3A_317 = arith.constant 0 : i32
                %dma_start3A_318 = arith.constant 0 : i32
                %dma_start3A_319 = tpu.memref_slice %arg9[%dma_start3A_317, %dma_start3A_318, %add3A_287] : memref<4x8x2048xf32, #tpu.memory_space<vmem>> -> memref<4x8x16xf32, #tpu.memory_space<vmem>>
                %dma_start3A_320 = arith.constant 0 : i32
                %dma_start3A_321 = arith.constant 0 : i32
                %dma_start3A_322 = tpu.memref_slice %arg5[%dma_start3A_320, %dma_start3A_321, %add3A_311] : memref<4x8x1000000xf32, #tpu.memory_space<hbm>> -> memref<4x8x16xf32, #tpu.memory_space<hbm>>
                tpu.enqueue_dma source(%dma_start3A_322 : memref<4x8x16xf32, #tpu.memory_space<hbm>>) target(%dma_start3A_319 : memref<4x8x16xf32, #tpu.memory_space<vmem>>) target_semaphore(%arg11 : memref<!tpu.dma_semaphore, #tpu.memory_space<semaphore_mem>>)
                %cond3A_323 = arith.constant 0 : i32
                scf.yield %cond3A_323 : i32
              }
              scf.yield %cond3A_309 : i32
            } else {
              %add3A_305 = arith.constant 32 : i32
              %add3A_306 = arith.addi %multiple_of3A_281, %add3A_305 : i32
              %dma_start3A = arith.constant 0 : i32
              %dma_start3A_307 = arith.constant 0 : i32
              %dma_start3A_308 = tpu.memref_slice %arg9[%dma_start3A, %dma_start3A_307, %add3A_287] : memref<4x8x2048xf32, #tpu.memory_space<vmem>> -> memref<4x8x16xf32, #tpu.memory_space<vmem>>
              %dma_start3A_309 = arith.constant 0 : i32
              %dma_start3A_310 = arith.constant 0 : i32
              %dma_start3A_311 = tpu.memref_slice %arg5[%dma_start3A_309, %dma_start3A_310, %add3A_306] : memref<4x8x1000000xf32, #tpu.memory_space<hbm>> -> memref<4x8x16xf32, #tpu.memory_space<hbm>>
              %dma_start3A_312 = arith.constant 0 : i32
              %dma_start3A_313 = arith.constant 0 : i32
              %dma_start3A_314 = tpu.memref_slice %arg9[%dma_start3A_312, %dma_start3A_313, %add3A_287] : memref<4x8x2048xf32, #tpu.memory_space<vmem>> -> memref<4x8x16xf32, #tpu.memory_space<vmem>>
              %dma_start3A_315 = arith.constant 0 : i32
              %dma_start3A_316 = arith.constant 0 : i32
              %dma_start3A_317 = tpu.memref_slice %arg5[%dma_start3A_315, %dma_start3A_316, %add3A_306] : memref<4x8x1000000xf32, #tpu.memory_space<hbm>> -> memref<4x8x16xf32, #tpu.memory_space<hbm>>
              tpu.enqueue_dma source(%dma_start3A_317 : memref<4x8x16xf32, #tpu.memory_space<hbm>>) target(%dma_start3A_314 : memref<4x8x16xf32, #tpu.memory_space<vmem>>) target_semaphore(%arg11 : memref<!tpu.dma_semaphore, #tpu.memory_space<semaphore_mem>>)
              %cond3A_318 = arith.constant 0 : i32
              scf.yield %cond3A_318 : i32
            }
            scf.yield %cond3A_304 : i32
          } else {
            %add3A_300 = arith.constant 16 : i32
            %add3A_301 = arith.addi %multiple_of3A_281, %add3A_300 : i32
            %dma_start3A = arith.constant 0 : i32
            %dma_start3A_302 = arith.constant 0 : i32
            %dma_start3A_303 = tpu.memref_slice %arg9[%dma_start3A, %dma_start3A_302, %add3A_287] : memref<4x8x2048xf32, #tpu.memory_space<vmem>> -> memref<4x8x16xf32, #tpu.memory_space<vmem>>
            %dma_start3A_304 = arith.constant 0 : i32
            %dma_start3A_305 = arith.constant 0 : i32
            %dma_start3A_306 = tpu.memref_slice %arg5[%dma_start3A_304, %dma_start3A_305, %add3A_301] : memref<4x8x1000000xf32, #tpu.memory_space<hbm>> -> memref<4x8x16xf32, #tpu.memory_space<hbm>>
            %dma_start3A_307 = arith.constant 0 : i32
            %dma_start3A_308 = arith.constant 0 : i32
            %dma_start3A_309 = tpu.memref_slice %arg9[%dma_start3A_307, %dma_start3A_308, %add3A_287] : memref<4x8x2048xf32, #tpu.memory_space<vmem>> -> memref<4x8x16xf32, #tpu.memory_space<vmem>>
            %dma_start3A_310 = arith.constant 0 : i32
            %dma_start3A_311 = arith.constant 0 : i32
            %dma_start3A_312 = tpu.memref_slice %arg5[%dma_start3A_310, %dma_start3A_311, %add3A_301] : memref<4x8x1000000xf32, #tpu.memory_space<hbm>> -> memref<4x8x16xf32, #tpu.memory_space<hbm>>
            tpu.enqueue_dma source(%dma_start3A_312 : memref<4x8x16xf32, #tpu.memory_space<hbm>>) target(%dma_start3A_309 : memref<4x8x16xf32, #tpu.memory_space<vmem>>) target_semaphore(%arg11 : memref<!tpu.dma_semaphore, #tpu.memory_space<semaphore_mem>>)
            %cond3A_313 = arith.constant 0 : i32
            scf.yield %cond3A_313 : i32
          }
          scf.yield %cond3A_299 : i32
        } else {
          %add3A_295 = arith.constant 0 : i32
          %add3A_296 = arith.addi %multiple_of3A_281, %add3A_295 : i32
          %dma_start3A = arith.constant 0 : i32
          %dma_start3A_297 = arith.constant 0 : i32
          %dma_start3A_298 = tpu.memref_slice %arg9[%dma_start3A, %dma_start3A_297, %add3A_287] : memref<4x8x2048xf32, #tpu.memory_space<vmem>> -> memref<4x8x16xf32, #tpu.memory_space<vmem>>
          %dma_start3A_299 = arith.constant 0 : i32
          %dma_start3A_300 = arith.constant 0 : i32
          %dma_start3A_301 = tpu.memref_slice %arg5[%dma_start3A_299, %dma_start3A_300, %add3A_296] : memref<4x8x1000000xf32, #tpu.memory_space<hbm>> -> memref<4x8x16xf32, #tpu.memory_space<hbm>>
          %dma_start3A_302 = arith.constant 0 : i32
          %dma_start3A_303 = arith.constant 0 : i32
          %dma_start3A_304 = tpu.memref_slice %arg9[%dma_start3A_302, %dma_start3A_303, %add3A_287] : memref<4x8x2048xf32, #tpu.memory_space<vmem>> -> memref<4x8x16xf32, #tpu.memory_space<vmem>>
          %dma_start3A_305 = arith.constant 0 : i32
          %dma_start3A_306 = arith.constant 0 : i32
          %dma_start3A_307 = tpu.memref_slice %arg5[%dma_start3A_305, %dma_start3A_306, %add3A_296] : memref<4x8x1000000xf32, #tpu.memory_space<hbm>> -> memref<4x8x16xf32, #tpu.memory_space<hbm>>
          tpu.enqueue_dma source(%dma_start3A_307 : memref<4x8x16xf32, #tpu.memory_space<hbm>>) target(%dma_start3A_304 : memref<4x8x16xf32, #tpu.memory_space<vmem>>) target_semaphore(%arg11 : memref<!tpu.dma_semaphore, #tpu.memory_space<semaphore_mem>>)
          %cond3A_308 = arith.constant 0 : i32
          scf.yield %cond3A_308 : i32
        }
      }
      %scan3A_19 = arith.constant 16 : i32
      %dma_wait3A = arith.constant 0 : i32
      %dma_wait3A_20 = arith.constant 0 : i32
      %dma_wait3A_21 = arith.constant 0 : i32
      %dma_wait3A_22 = tpu.memref_slice %arg9[%dma_wait3A, %dma_wait3A_20, %dma_wait3A_21] : memref<4x8x2048xf32, #tpu.memory_space<vmem>> -> memref<4x8x512xf32, #tpu.memory_space<vmem>>
      %dma_wait3A_23 = arith.constant 0 : i32
      %dma_wait3A_24 = arith.constant 0 : i32
      %dma_wait3A_25 = arith.constant 0 : i32
      %dma_wait3A_26 = tpu.memref_slice %arg4[%dma_wait3A_23, %dma_wait3A_24, %dma_wait3A_25] : memref<4x8x1000000xf32, #tpu.memory_space<hbm>> -> memref<4x8x512xf32, #tpu.memory_space<hbm>>
      %dma_wait3A_27 = arith.constant 0 : i32
      %dma_wait3A_28 = arith.constant 0 : i32
      %dma_wait3A_29 = arith.constant 0 : i32
      %dma_wait3A_30 = tpu.memref_slice %arg9[%dma_wait3A_27, %dma_wait3A_28, %dma_wait3A_29] : memref<4x8x2048xf32, #tpu.memory_space<vmem>> -> memref<4x8x512xf32, #tpu.memory_space<vmem>>
      %dma_wait3A_31 = arith.constant 0 : i32
      %dma_wait3A_32 = arith.constant 0 : i32
      %dma_wait3A_33 = arith.constant 0 : i32
      %dma_wait3A_34 = tpu.memref_slice %arg4[%dma_wait3A_31, %dma_wait3A_32, %dma_wait3A_33] : memref<4x8x1000000xf32, #tpu.memory_space<hbm>> -> memref<4x8x512xf32, #tpu.memory_space<hbm>>
      tpu.wait_dma2 semaphore(%arg11 : memref<!tpu.dma_semaphore, #tpu.memory_space<semaphore_mem>>) src(%dma_wait3A_34 : memref<4x8x512xf32, #tpu.memory_space<hbm>>) dst(%dma_wait3A_30 : memref<4x8x512xf32, #tpu.memory_space<vmem>>)
      %get3A = arith.index_cast %mul3A_13 : i32 to index
      %get3A_35 = tpu.vector_load %arg7[%get3A] {strides = array<i32>} : memref<528xi32, #tpu.memory_space<vmem>>, vector<16xi32>,
      %get3A_36 = arith.index_cast %mul3A_13 : i32 to index
      %get3A_37 = tpu.vector_load %arg8[%get3A_36] {strides = array<i32>} : memref<528xi32, #tpu.memory_space<vmem>>, vector<16xi32>,
      %and3A = arith.constant 15 : i32
      %and3A_38 = vector.broadcast %and3A : i32 to vector<16xi32>
      %and3A_39 = arith.andi %get3A_35, %and3A_38 : vector<16xi32>
      %add3A_40 = arith.addi %mul3A_5, %and3A_39 : vector<16xi32>
      %add3A_41 = arith.constant 64 : i32
      %add3A_42 = vector.broadcast %add3A_41 : i32 to vector<16xi32>
      %add3A_43 = arith.addi %mul3A_5, %add3A_42 : vector<16xi32>
      %and3A_44 = arith.constant 15 : i32
      %and3A_45 = vector.broadcast %and3A_44 : i32 to vector<16xi32>
      %and3A_46 = arith.andi %get3A_37, %and3A_45 : vector<16xi32>
      %add3A_47 = arith.addi %add3A_43, %and3A_46 : vector<16xi32>
      %broadcast_in_dim3A = arith.constant 0.000000e+00 : f32
      %broadcast_in_dim3A_48 = vector.broadcast %broadcast_in_dim3A : f32 to vector<16xf32>
      %broadcast_in_dim3A_49 = arith.constant 0 : i32
      %broadcast_in_dim3A_50 = vector.broadcast %broadcast_in_dim3A_49 : i32 to vector<16xi32>
      %broadcast_in_dim3A_51 = arith.constant 0 : i32
      %broadcast_in_dim3A_52 = vector.broadcast %broadcast_in_dim3A_51 : i32 to vector<16xi32>
      %gather3A = tpu.vector_load_idx %arg9[%broadcast_in_dim3A_50, %broadcast_in_dim3A_52, %add3A_40] : memref<4x8x2048xf32, #tpu.memory_space<vmem>>[vector<16xi32>, vector<16xi32>, vector<16xi32>], vector<16xf32>,
      %gather3A_53 = tpu.vector_load_idx %arg9[%broadcast_in_dim3A_50, %broadcast_in_dim3A_52, %add3A_47] : memref<4x8x2048xf32, #tpu.memory_space<vmem>>[vector<16xi32>, vector<16xi32>, vector<16xi32>], vector<16xf32>,
      %mul3A_54 = arith.mulf %gather3A, %gather3A_53 : vector<16xf32>
      %add3A_55 = arith.addf %broadcast_in_dim3A_48, %mul3A_54 : vector<16xf32>
      %broadcast_in_dim3A_56 = arith.constant 1 : i32
      %broadcast_in_dim3A_57 = vector.broadcast %broadcast_in_dim3A_56 : i32 to vector<16xi32>
      %gather3A_58 = tpu.vector_load_idx %arg9[%broadcast_in_dim3A_50, %broadcast_in_dim3A_57, %add3A_40] : memref<4x8x2048xf32, #tpu.memory_space<vmem>>[vector<16xi32>, vector<16xi32>, vector<16xi32>], vector<16xf32>,
      %gather3A_59 = tpu.vector_load_idx %arg9[%broadcast_in_dim3A_50, %broadcast_in_dim3A_57, %add3A_47] : memref<4x8x2048xf32, #tpu.memory_space<vmem>>[vector<16xi32>, vector<16xi32>, vector<16xi32>], vector<16xf32>,
      %mul3A_60 = arith.mulf %gather3A_58, %gather3A_59 : vector<16xf32>
      %add3A_61 = arith.addf %add3A_55, %mul3A_60 : vector<16xf32>
      %broadcast_in_dim3A_62 = arith.constant 2 : i32
      %broadcast_in_dim3A_63 = vector.broadcast %broadcast_in_dim3A_62 : i32 to vector<16xi32>
      %gather3A_64 = tpu.vector_load_idx %arg9[%broadcast_in_dim3A_50, %broadcast_in_dim3A_63, %add3A_40] : memref<4x8x2048xf32, #tpu.memory_space<vmem>>[vector<16xi32>, vector<16xi32>, vector<16xi32>], vector<16xf32>,
      %gather3A_65 = tpu.vector_load_idx %arg9[%broadcast_in_dim3A_50, %broadcast_in_dim3A_63, %add3A_47] : memref<4x8x2048xf32, #tpu.memory_space<vmem>>[vector<16xi32>, vector<16xi32>, vector<16xi32>], vector<16xf32>,
      %mul3A_66 = arith.mulf %gather3A_64, %gather3A_65 : vector<16xf32>
      %add3A_67 = arith.addf %add3A_61, %mul3A_66 : vector<16xf32>
      %broadcast_in_dim3A_68 = arith.constant 3 : i32
      %broadcast_in_dim3A_69 = vector.broadcast %broadcast_in_dim3A_68 : i32 to vector<16xi32>
      %gather3A_70 = tpu.vector_load_idx %arg9[%broadcast_in_dim3A_50, %broadcast_in_dim3A_69, %add3A_40] : memref<4x8x2048xf32, #tpu.memory_space<vmem>>[vector<16xi32>, vector<16xi32>, vector<16xi32>], vector<16xf32>,
      %gather3A_71 = tpu.vector_load_idx %arg9[%broadcast_in_dim3A_50, %broadcast_in_dim3A_69, %add3A_47] : memref<4x8x2048xf32, #tpu.memory_space<vmem>>[vector<16xi32>, vector<16xi32>, vector<16xi32>], vector<16xf32>,
      %mul3A_72 = arith.mulf %gather3A_70, %gather3A_71 : vector<16xf32>
      %add3A_73 = arith.addf %add3A_67, %mul3A_72 : vector<16xf32>
      %broadcast_in_dim3A_74 = arith.constant 4 : i32
      %broadcast_in_dim3A_75 = vector.broadcast %broadcast_in_dim3A_74 : i32 to vector<16xi32>
      %gather3A_76 = tpu.vector_load_idx %arg9[%broadcast_in_dim3A_50, %broadcast_in_dim3A_75, %add3A_40] : memref<4x8x2048xf32, #tpu.memory_space<vmem>>[vector<16xi32>, vector<16xi32>, vector<16xi32>], vector<16xf32>,
      %gather3A_77 = tpu.vector_load_idx %arg9[%broadcast_in_dim3A_50, %broadcast_in_dim3A_75, %add3A_47] : memref<4x8x2048xf32, #tpu.memory_space<vmem>>[vector<16xi32>, vector<16xi32>, vector<16xi32>], vector<16xf32>,
      %mul3A_78 = arith.mulf %gather3A_76, %gather3A_77 : vector<16xf32>
      %add3A_79 = arith.addf %add3A_73, %mul3A_78 : vector<16xf32>
      %broadcast_in_dim3A_80 = arith.constant 5 : i32
      %broadcast_in_dim3A_81 = vector.broadcast %broadcast_in_dim3A_80 : i32 to vector<16xi32>
      %gather3A_82 = tpu.vector_load_idx %arg9[%broadcast_in_dim3A_50, %broadcast_in_dim3A_81, %add3A_40] : memref<4x8x2048xf32, #tpu.memory_space<vmem>>[vector<16xi32>, vector<16xi32>, vector<16xi32>], vector<16xf32>,
      %gather3A_83 = tpu.vector_load_idx %arg9[%broadcast_in_dim3A_50, %broadcast_in_dim3A_81, %add3A_47] : memref<4x8x2048xf32, #tpu.memory_space<vmem>>[vector<16xi32>, vector<16xi32>, vector<16xi32>], vector<16xf32>,
      %mul3A_84 = arith.mulf %gather3A_82, %gather3A_83 : vector<16xf32>
      %add3A_85 = arith.addf %add3A_79, %mul3A_84 : vector<16xf32>
      %broadcast_in_dim3A_86 = arith.constant 6 : i32
      %broadcast_in_dim3A_87 = vector.broadcast %broadcast_in_dim3A_86 : i32 to vector<16xi32>
      %gather3A_88 = tpu.vector_load_idx %arg9[%broadcast_in_dim3A_50, %broadcast_in_dim3A_87, %add3A_40] : memref<4x8x2048xf32, #tpu.memory_space<vmem>>[vector<16xi32>, vector<16xi32>, vector<16xi32>], vector<16xf32>,
      %gather3A_89 = tpu.vector_load_idx %arg9[%broadcast_in_dim3A_50, %broadcast_in_dim3A_87, %add3A_47] : memref<4x8x2048xf32, #tpu.memory_space<vmem>>[vector<16xi32>, vector<16xi32>, vector<16xi32>], vector<16xf32>,
      %mul3A_90 = arith.mulf %gather3A_88, %gather3A_89 : vector<16xf32>
      %add3A_91 = arith.addf %add3A_85, %mul3A_90 : vector<16xf32>
      %broadcast_in_dim3A_92 = arith.constant 7 : i32
      %broadcast_in_dim3A_93 = vector.broadcast %broadcast_in_dim3A_92 : i32 to vector<16xi32>
      %gather3A_94 = tpu.vector_load_idx %arg9[%broadcast_in_dim3A_50, %broadcast_in_dim3A_93, %add3A_40] : memref<4x8x2048xf32, #tpu.memory_space<vmem>>[vector<16xi32>, vector<16xi32>, vector<16xi32>], vector<16xf32>,
      %gather3A_95 = tpu.vector_load_idx %arg9[%broadcast_in_dim3A_50, %broadcast_in_dim3A_93, %add3A_47] : memref<4x8x2048xf32, #tpu.memory_space<vmem>>[vector<16xi32>, vector<16xi32>, vector<16xi32>], vector<16xf32>,
      %mul3A_96 = arith.mulf %gather3A_94, %gather3A_95 : vector<16xf32>
      %add3A_97 = arith.addf %add3A_91, %mul3A_96 : vector<16xf32>
      %broadcast_in_dim3A_98 = arith.constant 1 : i32
      %broadcast_in_dim3A_99 = vector.broadcast %broadcast_in_dim3A_98 : i32 to vector<16xi32>
      %broadcast_in_dim3A_100 = arith.constant 0 : i32
      %broadcast_in_dim3A_101 = vector.broadcast %broadcast_in_dim3A_100 : i32 to vector<16xi32>
      %gather3A_102 = tpu.vector_load_idx %arg9[%broadcast_in_dim3A_99, %broadcast_in_dim3A_101, %add3A_40] : memref<4x8x2048xf32, #tpu.memory_space<vmem>>[vector<16xi32>, vector<16xi32>, vector<16xi32>], vector<16xf32>,
      %gather3A_103 = tpu.vector_load_idx %arg9[%broadcast_in_dim3A_99, %broadcast_in_dim3A_101, %add3A_47] : memref<4x8x2048xf32, #tpu.memory_space<vmem>>[vector<16xi32>, vector<16xi32>, vector<16xi32>], vector<16xf32>,
      %mul3A_104 = arith.mulf %gather3A_102, %gather3A_103 : vector<16xf32>
      %add3A_105 = arith.addf %add3A_97, %mul3A_104 : vector<16xf32>
      %broadcast_in_dim3A_106 = arith.constant 1 : i32
      %broadcast_in_dim3A_107 = vector.broadcast %broadcast_in_dim3A_106 : i32 to vector<16xi32>
      %gather3A_108 = tpu.vector_load_idx %arg9[%broadcast_in_dim3A_99, %broadcast_in_dim3A_107, %add3A_40] : memref<4x8x2048xf32, #tpu.memory_space<vmem>>[vector<16xi32>, vector<16xi32>, vector<16xi32>], vector<16xf32>,
      %gather3A_109 = tpu.vector_load_idx %arg9[%broadcast_in_dim3A_99, %broadcast_in_dim3A_107, %add3A_47] : memref<4x8x2048xf32, #tpu.memory_space<vmem>>[vector<16xi32>, vector<16xi32>, vector<16xi32>], vector<16xf32>,
      %mul3A_110 = arith.mulf %gather3A_108, %gather3A_109 : vector<16xf32>
      %add3A_111 = arith.addf %add3A_105, %mul3A_110 : vector<16xf32>
      %broadcast_in_dim3A_112 = arith.constant 2 : i32
      %broadcast_in_dim3A_113 = vector.broadcast %broadcast_in_dim3A_112 : i32 to vector<16xi32>
      %gather3A_114 = tpu.vector_load_idx %arg9[%broadcast_in_dim3A_99, %broadcast_in_dim3A_113, %add3A_40] : memref<4x8x2048xf32, #tpu.memory_space<vmem>>[vector<16xi32>, vector<16xi32>, vector<16xi32>], vector<16xf32>,
      %gather3A_115 = tpu.vector_load_idx %arg9[%broadcast_in_dim3A_99, %broadcast_in_dim3A_113, %add3A_47] : memref<4x8x2048xf32, #tpu.memory_space<vmem>>[vector<16xi32>, vector<16xi32>, vector<16xi32>], vector<16xf32>,
      %mul3A_116 = arith.mulf %gather3A_114, %gather3A_115 : vector<16xf32>
      %add3A_117 = arith.addf %add3A_111, %mul3A_116 : vector<16xf32>
      %broadcast_in_dim3A_118 = arith.constant 3 : i32
      %broadcast_in_dim3A_119 = vector.broadcast %broadcast_in_dim3A_118 : i32 to vector<16xi32>
      %gather3A_120 = tpu.vector_load_idx %arg9[%broadcast_in_dim3A_99, %broadcast_in_dim3A_119, %add3A_40] : memref<4x8x2048xf32, #tpu.memory_space<vmem>>[vector<16xi32>, vector<16xi32>, vector<16xi32>], vector<16xf32>,
      %gather3A_121 = tpu.vector_load_idx %arg9[%broadcast_in_dim3A_99, %broadcast_in_dim3A_119, %add3A_47] : memref<4x8x2048xf32, #tpu.memory_space<vmem>>[vector<16xi32>, vector<16xi32>, vector<16xi32>], vector<16xf32>,
      %mul3A_122 = arith.mulf %gather3A_120, %gather3A_121 : vector<16xf32>
      %add3A_123 = arith.addf %add3A_117, %mul3A_122 : vector<16xf32>
      %broadcast_in_dim3A_124 = arith.constant 4 : i32
      %broadcast_in_dim3A_125 = vector.broadcast %broadcast_in_dim3A_124 : i32 to vector<16xi32>
      %gather3A_126 = tpu.vector_load_idx %arg9[%broadcast_in_dim3A_99, %broadcast_in_dim3A_125, %add3A_40] : memref<4x8x2048xf32, #tpu.memory_space<vmem>>[vector<16xi32>, vector<16xi32>, vector<16xi32>], vector<16xf32>,
      %gather3A_127 = tpu.vector_load_idx %arg9[%broadcast_in_dim3A_99, %broadcast_in_dim3A_125, %add3A_47] : memref<4x8x2048xf32, #tpu.memory_space<vmem>>[vector<16xi32>, vector<16xi32>, vector<16xi32>], vector<16xf32>,
      %mul3A_128 = arith.mulf %gather3A_126, %gather3A_127 : vector<16xf32>
      %add3A_129 = arith.addf %add3A_123, %mul3A_128 : vector<16xf32>
      %broadcast_in_dim3A_130 = arith.constant 5 : i32
      %broadcast_in_dim3A_131 = vector.broadcast %broadcast_in_dim3A_130 : i32 to vector<16xi32>
      %gather3A_132 = tpu.vector_load_idx %arg9[%broadcast_in_dim3A_99, %broadcast_in_dim3A_131, %add3A_40] : memref<4x8x2048xf32, #tpu.memory_space<vmem>>[vector<16xi32>, vector<16xi32>, vector<16xi32>], vector<16xf32>,
      %gather3A_133 = tpu.vector_load_idx %arg9[%broadcast_in_dim3A_99, %broadcast_in_dim3A_131, %add3A_47] : memref<4x8x2048xf32, #tpu.memory_space<vmem>>[vector<16xi32>, vector<16xi32>, vector<16xi32>], vector<16xf32>,
      %mul3A_134 = arith.mulf %gather3A_132, %gather3A_133 : vector<16xf32>
      %add3A_135 = arith.addf %add3A_129, %mul3A_134 : vector<16xf32>
      %broadcast_in_dim3A_136 = arith.constant 6 : i32
      %broadcast_in_dim3A_137 = vector.broadcast %broadcast_in_dim3A_136 : i32 to vector<16xi32>
      %gather3A_138 = tpu.vector_load_idx %arg9[%broadcast_in_dim3A_99, %broadcast_in_dim3A_137, %add3A_40] : memref<4x8x2048xf32, #tpu.memory_space<vmem>>[vector<16xi32>, vector<16xi32>, vector<16xi32>], vector<16xf32>,
      %gather3A_139 = tpu.vector_load_idx %arg9[%broadcast_in_dim3A_99, %broadcast_in_dim3A_137, %add3A_47] : memref<4x8x2048xf32, #tpu.memory_space<vmem>>[vector<16xi32>, vector<16xi32>, vector<16xi32>], vector<16xf32>,
      %mul3A_140 = arith.mulf %gather3A_138, %gather3A_139 : vector<16xf32>
      %add3A_141 = arith.addf %add3A_135, %mul3A_140 : vector<16xf32>
      %broadcast_in_dim3A_142 = arith.constant 7 : i32
      %broadcast_in_dim3A_143 = vector.broadcast %broadcast_in_dim3A_142 : i32 to vector<16xi32>
      %gather3A_144 = tpu.vector_load_idx %arg9[%broadcast_in_dim3A_99, %broadcast_in_dim3A_143, %add3A_40] : memref<4x8x2048xf32, #tpu.memory_space<vmem>>[vector<16xi32>, vector<16xi32>, vector<16xi32>], vector<16xf32>,
      %gather3A_145 = tpu.vector_load_idx %arg9[%broadcast_in_dim3A_99, %broadcast_in_dim3A_143, %add3A_47] : memref<4x8x2048xf32, #tpu.memory_space<vmem>>[vector<16xi32>, vector<16xi32>, vector<16xi32>], vector<16xf32>,
      %mul3A_146 = arith.mulf %gather3A_144, %gather3A_145 : vector<16xf32>
      %add3A_147 = arith.addf %add3A_141, %mul3A_146 : vector<16xf32>
      %broadcast_in_dim3A_148 = arith.constant 2 : i32
      %broadcast_in_dim3A_149 = vector.broadcast %broadcast_in_dim3A_148 : i32 to vector<16xi32>
      %broadcast_in_dim3A_150 = arith.constant 0 : i32
      %broadcast_in_dim3A_151 = vector.broadcast %broadcast_in_dim3A_150 : i32 to vector<16xi32>
      %gather3A_152 = tpu.vector_load_idx %arg9[%broadcast_in_dim3A_149, %broadcast_in_dim3A_151, %add3A_40] : memref<4x8x2048xf32, #tpu.memory_space<vmem>>[vector<16xi32>, vector<16xi32>, vector<16xi32>], vector<16xf32>,
      %gather3A_153 = tpu.vector_load_idx %arg9[%broadcast_in_dim3A_149, %broadcast_in_dim3A_151, %add3A_47] : memref<4x8x2048xf32, #tpu.memory_space<vmem>>[vector<16xi32>, vector<16xi32>, vector<16xi32>], vector<16xf32>,
      %mul3A_154 = arith.mulf %gather3A_152, %gather3A_153 : vector<16xf32>
      %add3A_155 = arith.addf %add3A_147, %mul3A_154 : vector<16xf32>
      %broadcast_in_dim3A_156 = arith.constant 1 : i32
      %broadcast_in_dim3A_157 = vector.broadcast %broadcast_in_dim3A_156 : i32 to vector<16xi32>
      %gather3A_158 = tpu.vector_load_idx %arg9[%broadcast_in_dim3A_149, %broadcast_in_dim3A_157, %add3A_40] : memref<4x8x2048xf32, #tpu.memory_space<vmem>>[vector<16xi32>, vector<16xi32>, vector<16xi32>], vector<16xf32>,
      %gather3A_159 = tpu.vector_load_idx %arg9[%broadcast_in_dim3A_149, %broadcast_in_dim3A_157, %add3A_47] : memref<4x8x2048xf32, #tpu.memory_space<vmem>>[vector<16xi32>, vector<16xi32>, vector<16xi32>], vector<16xf32>,
      %mul3A_160 = arith.mulf %gather3A_158, %gather3A_159 : vector<16xf32>
      %add3A_161 = arith.addf %add3A_155, %mul3A_160 : vector<16xf32>
      %broadcast_in_dim3A_162 = arith.constant 2 : i32
      %broadcast_in_dim3A_163 = vector.broadcast %broadcast_in_dim3A_162 : i32 to vector<16xi32>
      %gather3A_164 = tpu.vector_load_idx %arg9[%broadcast_in_dim3A_149, %broadcast_in_dim3A_163, %add3A_40] : memref<4x8x2048xf32, #tpu.memory_space<vmem>>[vector<16xi32>, vector<16xi32>, vector<16xi32>], vector<16xf32>,
      %gather3A_165 = tpu.vector_load_idx %arg9[%broadcast_in_dim3A_149, %broadcast_in_dim3A_163, %add3A_47] : memref<4x8x2048xf32, #tpu.memory_space<vmem>>[vector<16xi32>, vector<16xi32>, vector<16xi32>], vector<16xf32>,
      %mul3A_166 = arith.mulf %gather3A_164, %gather3A_165 : vector<16xf32>
      %add3A_167 = arith.addf %add3A_161, %mul3A_166 : vector<16xf32>
      %broadcast_in_dim3A_168 = arith.constant 3 : i32
      %broadcast_in_dim3A_169 = vector.broadcast %broadcast_in_dim3A_168 : i32 to vector<16xi32>
      %gather3A_170 = tpu.vector_load_idx %arg9[%broadcast_in_dim3A_149, %broadcast_in_dim3A_169, %add3A_40] : memref<4x8x2048xf32, #tpu.memory_space<vmem>>[vector<16xi32>, vector<16xi32>, vector<16xi32>], vector<16xf32>,
      %gather3A_171 = tpu.vector_load_idx %arg9[%broadcast_in_dim3A_149, %broadcast_in_dim3A_169, %add3A_47] : memref<4x8x2048xf32, #tpu.memory_space<vmem>>[vector<16xi32>, vector<16xi32>, vector<16xi32>], vector<16xf32>,
      %mul3A_172 = arith.mulf %gather3A_170, %gather3A_171 : vector<16xf32>
      %add3A_173 = arith.addf %add3A_167, %mul3A_172 : vector<16xf32>
      %broadcast_in_dim3A_174 = arith.constant 4 : i32
      %broadcast_in_dim3A_175 = vector.broadcast %broadcast_in_dim3A_174 : i32 to vector<16xi32>
      %gather3A_176 = tpu.vector_load_idx %arg9[%broadcast_in_dim3A_149, %broadcast_in_dim3A_175, %add3A_40] : memref<4x8x2048xf32, #tpu.memory_space<vmem>>[vector<16xi32>, vector<16xi32>, vector<16xi32>], vector<16xf32>,
      %gather3A_177 = tpu.vector_load_idx %arg9[%broadcast_in_dim3A_149, %broadcast_in_dim3A_175, %add3A_47] : memref<4x8x2048xf32, #tpu.memory_space<vmem>>[vector<16xi32>, vector<16xi32>, vector<16xi32>], vector<16xf32>,
      %mul3A_178 = arith.mulf %gather3A_176, %gather3A_177 : vector<16xf32>
      %add3A_179 = arith.addf %add3A_173, %mul3A_178 : vector<16xf32>
      %broadcast_in_dim3A_180 = arith.constant 5 : i32
      %broadcast_in_dim3A_181 = vector.broadcast %broadcast_in_dim3A_180 : i32 to vector<16xi32>
      %gather3A_182 = tpu.vector_load_idx %arg9[%broadcast_in_dim3A_149, %broadcast_in_dim3A_181, %add3A_40] : memref<4x8x2048xf32, #tpu.memory_space<vmem>>[vector<16xi32>, vector<16xi32>, vector<16xi32>], vector<16xf32>,
      %gather3A_183 = tpu.vector_load_idx %arg9[%broadcast_in_dim3A_149, %broadcast_in_dim3A_181, %add3A_47] : memref<4x8x2048xf32, #tpu.memory_space<vmem>>[vector<16xi32>, vector<16xi32>, vector<16xi32>], vector<16xf32>,
      %mul3A_184 = arith.mulf %gather3A_182, %gather3A_183 : vector<16xf32>
      %add3A_185 = arith.addf %add3A_179, %mul3A_184 : vector<16xf32>
      %broadcast_in_dim3A_186 = arith.constant 6 : i32
      %broadcast_in_dim3A_187 = vector.broadcast %broadcast_in_dim3A_186 : i32 to vector<16xi32>
      %gather3A_188 = tpu.vector_load_idx %arg9[%broadcast_in_dim3A_149, %broadcast_in_dim3A_187, %add3A_40] : memref<4x8x2048xf32, #tpu.memory_space<vmem>>[vector<16xi32>, vector<16xi32>, vector<16xi32>], vector<16xf32>,
      %gather3A_189 = tpu.vector_load_idx %arg9[%broadcast_in_dim3A_149, %broadcast_in_dim3A_187, %add3A_47] : memref<4x8x2048xf32, #tpu.memory_space<vmem>>[vector<16xi32>, vector<16xi32>, vector<16xi32>], vector<16xf32>,
      %mul3A_190 = arith.mulf %gather3A_188, %gather3A_189 : vector<16xf32>
      %add3A_191 = arith.addf %add3A_185, %mul3A_190 : vector<16xf32>
      %broadcast_in_dim3A_192 = arith.constant 7 : i32
      %broadcast_in_dim3A_193 = vector.broadcast %broadcast_in_dim3A_192 : i32 to vector<16xi32>
      %gather3A_194 = tpu.vector_load_idx %arg9[%broadcast_in_dim3A_149, %broadcast_in_dim3A_193, %add3A_40] : memref<4x8x2048xf32, #tpu.memory_space<vmem>>[vector<16xi32>, vector<16xi32>, vector<16xi32>], vector<16xf32>,
      %gather3A_195 = tpu.vector_load_idx %arg9[%broadcast_in_dim3A_149, %broadcast_in_dim3A_193, %add3A_47] : memref<4x8x2048xf32, #tpu.memory_space<vmem>>[vector<16xi32>, vector<16xi32>, vector<16xi32>], vector<16xf32>,
      %mul3A_196 = arith.mulf %gather3A_194, %gather3A_195 : vector<16xf32>
      %add3A_197 = arith.addf %add3A_191, %mul3A_196 : vector<16xf32>
      %broadcast_in_dim3A_198 = arith.constant 3 : i32
      %broadcast_in_dim3A_199 = vector.broadcast %broadcast_in_dim3A_198 : i32 to vector<16xi32>
      %broadcast_in_dim3A_200 = arith.constant 0 : i32
      %broadcast_in_dim3A_201 = vector.broadcast %broadcast_in_dim3A_200 : i32 to vector<16xi32>
      %gather3A_202 = tpu.vector_load_idx %arg9[%broadcast_in_dim3A_199, %broadcast_in_dim3A_201, %add3A_40] : memref<4x8x2048xf32, #tpu.memory_space<vmem>>[vector<16xi32>, vector<16xi32>, vector<16xi32>], vector<16xf32>,
      %gather3A_203 = tpu.vector_load_idx %arg9[%broadcast_in_dim3A_199, %broadcast_in_dim3A_201, %add3A_47] : memref<4x8x2048xf32, #tpu.memory_space<vmem>>[vector<16xi32>, vector<16xi32>, vector<16xi32>], vector<16xf32>,
      %mul3A_204 = arith.mulf %gather3A_202, %gather3A_203 : vector<16xf32>
      %add3A_205 = arith.addf %add3A_197, %mul3A_204 : vector<16xf32>
      %broadcast_in_dim3A_206 = arith.constant 1 : i32
      %broadcast_in_dim3A_207 = vector.broadcast %broadcast_in_dim3A_206 : i32 to vector<16xi32>
      %gather3A_208 = tpu.vector_load_idx %arg9[%broadcast_in_dim3A_199, %broadcast_in_dim3A_207, %add3A_40] : memref<4x8x2048xf32, #tpu.memory_space<vmem>>[vector<16xi32>, vector<16xi32>, vector<16xi32>], vector<16xf32>,
      %gather3A_209 = tpu.vector_load_idx %arg9[%broadcast_in_dim3A_199, %broadcast_in_dim3A_207, %add3A_47] : memref<4x8x2048xf32, #tpu.memory_space<vmem>>[vector<16xi32>, vector<16xi32>, vector<16xi32>], vector<16xf32>,
      %mul3A_210 = arith.mulf %gather3A_208, %gather3A_209 : vector<16xf32>
      %add3A_211 = arith.addf %add3A_205, %mul3A_210 : vector<16xf32>
      %broadcast_in_dim3A_212 = arith.constant 2 : i32
      %broadcast_in_dim3A_213 = vector.broadcast %broadcast_in_dim3A_212 : i32 to vector<16xi32>
      %gather3A_214 = tpu.vector_load_idx %arg9[%broadcast_in_dim3A_199, %broadcast_in_dim3A_213, %add3A_40] : memref<4x8x2048xf32, #tpu.memory_space<vmem>>[vector<16xi32>, vector<16xi32>, vector<16xi32>], vector<16xf32>,
      %gather3A_215 = tpu.vector_load_idx %arg9[%broadcast_in_dim3A_199, %broadcast_in_dim3A_213, %add3A_47] : memref<4x8x2048xf32, #tpu.memory_space<vmem>>[vector<16xi32>, vector<16xi32>, vector<16xi32>], vector<16xf32>,
      %mul3A_216 = arith.mulf %gather3A_214, %gather3A_215 : vector<16xf32>
      %add3A_217 = arith.addf %add3A_211, %mul3A_216 : vector<16xf32>
      %broadcast_in_dim3A_218 = arith.constant 3 : i32
      %broadcast_in_dim3A_219 = vector.broadcast %broadcast_in_dim3A_218 : i32 to vector<16xi32>
      %gather3A_220 = tpu.vector_load_idx %arg9[%broadcast_in_dim3A_199, %broadcast_in_dim3A_219, %add3A_40] : memref<4x8x2048xf32, #tpu.memory_space<vmem>>[vector<16xi32>, vector<16xi32>, vector<16xi32>], vector<16xf32>,
      %gather3A_221 = tpu.vector_load_idx %arg9[%broadcast_in_dim3A_199, %broadcast_in_dim3A_219, %add3A_47] : memref<4x8x2048xf32, #tpu.memory_space<vmem>>[vector<16xi32>, vector<16xi32>, vector<16xi32>], vector<16xf32>,
      %mul3A_222 = arith.mulf %gather3A_220, %gather3A_221 : vector<16xf32>
      %add3A_223 = arith.addf %add3A_217, %mul3A_222 : vector<16xf32>
      %broadcast_in_dim3A_224 = arith.constant 4 : i32
      %broadcast_in_dim3A_225 = vector.broadcast %broadcast_in_dim3A_224 : i32 to vector<16xi32>
      %gather3A_226 = tpu.vector_load_idx %arg9[%broadcast_in_dim3A_199, %broadcast_in_dim3A_225, %add3A_40] : memref<4x8x2048xf32, #tpu.memory_space<vmem>>[vector<16xi32>, vector<16xi32>, vector<16xi32>], vector<16xf32>,
      %gather3A_227 = tpu.vector_load_idx %arg9[%broadcast_in_dim3A_199, %broadcast_in_dim3A_225, %add3A_47] : memref<4x8x2048xf32, #tpu.memory_space<vmem>>[vector<16xi32>, vector<16xi32>, vector<16xi32>], vector<16xf32>,
      %mul3A_228 = arith.mulf %gather3A_226, %gather3A_227 : vector<16xf32>
      %add3A_229 = arith.addf %add3A_223, %mul3A_228 : vector<16xf32>
      %broadcast_in_dim3A_230 = arith.constant 5 : i32
      %broadcast_in_dim3A_231 = vector.broadcast %broadcast_in_dim3A_230 : i32 to vector<16xi32>
      %gather3A_232 = tpu.vector_load_idx %arg9[%broadcast_in_dim3A_199, %broadcast_in_dim3A_231, %add3A_40] : memref<4x8x2048xf32, #tpu.memory_space<vmem>>[vector<16xi32>, vector<16xi32>, vector<16xi32>], vector<16xf32>,
      %gather3A_233 = tpu.vector_load_idx %arg9[%broadcast_in_dim3A_199, %broadcast_in_dim3A_231, %add3A_47] : memref<4x8x2048xf32, #tpu.memory_space<vmem>>[vector<16xi32>, vector<16xi32>, vector<16xi32>], vector<16xf32>,
      %mul3A_234 = arith.mulf %gather3A_232, %gather3A_233 : vector<16xf32>
      %add3A_235 = arith.addf %add3A_229, %mul3A_234 : vector<16xf32>
      %broadcast_in_dim3A_236 = arith.constant 6 : i32
      %broadcast_in_dim3A_237 = vector.broadcast %broadcast_in_dim3A_236 : i32 to vector<16xi32>
      %gather3A_238 = tpu.vector_load_idx %arg9[%broadcast_in_dim3A_199, %broadcast_in_dim3A_237, %add3A_40] : memref<4x8x2048xf32, #tpu.memory_space<vmem>>[vector<16xi32>, vector<16xi32>, vector<16xi32>], vector<16xf32>,
      %gather3A_239 = tpu.vector_load_idx %arg9[%broadcast_in_dim3A_199, %broadcast_in_dim3A_237, %add3A_47] : memref<4x8x2048xf32, #tpu.memory_space<vmem>>[vector<16xi32>, vector<16xi32>, vector<16xi32>], vector<16xf32>,
      %mul3A_240 = arith.mulf %gather3A_238, %gather3A_239 : vector<16xf32>
      %add3A_241 = arith.addf %add3A_235, %mul3A_240 : vector<16xf32>
      %broadcast_in_dim3A_242 = arith.constant 7 : i32
      %broadcast_in_dim3A_243 = vector.broadcast %broadcast_in_dim3A_242 : i32 to vector<16xi32>
      %gather3A_244 = tpu.vector_load_idx %arg9[%broadcast_in_dim3A_199, %broadcast_in_dim3A_243, %add3A_40] : memref<4x8x2048xf32, #tpu.memory_space<vmem>>[vector<16xi32>, vector<16xi32>, vector<16xi32>], vector<16xf32>,
      %gather3A_245 = tpu.vector_load_idx %arg9[%broadcast_in_dim3A_199, %broadcast_in_dim3A_243, %add3A_47] : memref<4x8x2048xf32, #tpu.memory_space<vmem>>[vector<16xi32>, vector<16xi32>, vector<16xi32>], vector<16xf32>,
      %mul3A_246 = arith.mulf %gather3A_244, %gather3A_245 : vector<16xf32>
      %add3A_247 = arith.addf %add3A_241, %mul3A_246 : vector<16xf32>
      %neg3A = arith.constant 0.000000e+00 : f32
      %neg3A_248 = vector.broadcast %neg3A : f32 to vector<16xf32>
      %neg3A_249 = arith.subf %neg3A_248, %add3A_247 : vector<16xf32>
      %exp3A = math.exp %neg3A_249 : vector<16xf32>
      %add3A_250 = arith.constant 1.000000e+00 : f32
      %add3A_251 = vector.broadcast %add3A_250 : f32 to vector<16xf32>
      %add3A_252 = arith.addf %add3A_251, %exp3A : vector<16xf32>
      %div3A = arith.constant 1.000000e+00 : f32
      %div3A_253 = vector.broadcast %div3A : f32 to vector<16xf32>
      %div3A_254 = arith.divf %div3A_253, %add3A_252 : vector<16xf32>
      %swap3A = arith.index_cast %mul3A_13 : i32 to index
      %swap3A_255 = tpu.vector_load %arg10[%swap3A] {strides = array<i32>} : memref<512xf32, #tpu.memory_space<vmem>>, vector<16xf32>,
      tpu.vector_store %arg10[%swap3A], %div3A_254 {strides = array<i32>} : memref<512xf32, #tpu.memory_space<vmem>>, vector<16xf32>,
    }
    %scan3A_10 = arith.constant 32 : i32
    "tpu.region"() ({
      %run_scoped3A = tpu.sem_alloc : memref<!tpu.dma_semaphore, #tpu.memory_space<semaphore_mem>>
      %dma_start3A = tpu.memref_slice %arg6[%mul3A_2] : memref<16384xf32, #tpu.memory_space<hbm>> -> memref<512xf32, #tpu.memory_space<hbm>>
      %dma_start3A_11 = tpu.memref_slice %arg6[%mul3A_2] : memref<16384xf32, #tpu.memory_space<hbm>> -> memref<512xf32, #tpu.memory_space<hbm>>
      tpu.enqueue_dma source(%arg10 : memref<512xf32, #tpu.memory_space<vmem>>) target(%dma_start3A_11 : memref<512xf32, #tpu.memory_space<hbm>>) target_semaphore(%run_scoped3A : memref<!tpu.dma_semaphore, #tpu.memory_space<semaphore_mem>>)
      %dma_wait3A = tpu.memref_slice %arg6[%mul3A_2] : memref<16384xf32, #tpu.memory_space<hbm>> -> memref<512xf32, #tpu.memory_space<hbm>>
      %dma_wait3A_12 = tpu.memref_slice %arg6[%mul3A_2] : memref<16384xf32, #tpu.memory_space<hbm>> -> memref<512xf32, #tpu.memory_space<hbm>>
      tpu.wait_dma2 semaphore(%run_scoped3A : memref<!tpu.dma_semaphore, #tpu.memory_space<semaphore_mem>>) src(%arg10 : memref<512xf32, #tpu.memory_space<vmem>>) dst(%dma_wait3A_12 : memref<512xf32, #tpu.memory_space<hbm>>)
      tpu.yield
    }) : () -> ()
    return
  }
}

</mosaic_0001>

<sc_bundles>
// kernel: kernel.3.cloned.1.call-start
scs
__scs_entry_jumppad:
0x0: {  	(pc) =	sbr.rel $0x88, $3  }
0x1: {  	(tag) =	ssettag $0x0;
	lr =	simm.s32 $0x1  }
0x2: {  	[smem:$0x3F9D] =	sst lr;
	_ =	strace $0xD0000000  }
0x3: {  	_ = 	snop  }
0x4: {  	_ = 	snop  }
0x5: {  	_ = 	snop  }
0x6: {  	_ = 	snop  }
0x7: {  	_ = 	snop  }
__scs_overlays_trampoline_lowered:
0x8: {  	[smem:$0x3FAC] =	sst s0  }
0x9: {  	[smem:$0x3FAD] =	sst s1  }
0xa: {  	[smem:$0x3FAE] =	sst s2  }
0xb: {  	[smem:$0x3FAF] =	sst s3  }
0xc: {  	[smem:$0x3FB0] =	sst s4  }
0xd: {  	[smem:$0x3FB1] =	sst s5  }
0xe: {  	[smem:$0x3FB2] =	sst s6  }
0xf: {  	[smem:$0x3FB3] =	sst s7  }
0x10: {  	[smem:$0x3FB4] =	sst s8  }
0x11: {  	[smem:$0x3FB5] =	sst s9;
	s0 =	simm.s32 @!p0 $0x0  }
0x12: {  	s1 =	sld [smem:$0x3F9B];
	s0 =	simm.s32 @p0 $0x1  }
0x13: {  	[smem:$0x3FB6] =	sst s0;
	s0 =	simm.s32 @!p1 $0x0  }
0x14: {  	s2 =	sld [smem:$0x3F9A];
	s0 =	simm.s32 @p1 $0x1  }
0x15: {  	[smem:$0x3FB7] =	sst s0;
	s0 =	simm.s32 @!p2 $0x0  }
0x16: {  	s3 =	sld [smem:$0x3FDB];
	s0 =	simm.s32 @p2 $0x1  }
0x17: {  	s4 =	simm.s32 $0x1BF5;
	[smem:$0x3FB9] =	sst s0  }
0x18: {  	s0 =	sld [smem:$0x3F9C];
	_ =	swait.ge [sflag:s4], $0x0  }
0x19: {  	s7 =	sld [smem:$0x3F9D]  }
0x1a: {  	s8 =	sadd.s32 $0xFFFFE003, lr  }
0x1b: {  	s9 =	sadd.s32 $0xFFFFFEF7, lr;
	s5 =	simm.s32 $0xFFFFFFFF;
	p2 =	slt.u32 s8, $0xFFFFF086  }
0x1c: {  	p1 =	slt.u32 s9, $0xF7A;
	s5 =	simm.s32 @!p2 $0x0  }
0x1d: {  	s5 =	simm.s32 @p1 $0x1;
	p0 =	seq.s32 s7, s2  }
0x1e: {  	s7 =	smul.u32 @!p0 $0xF7A, s2;
	p2 =	seq.s32 @!p0 s5, $0x0  }
0x1f: {  	s9 =	smul.u32 $0xF7A, s1;
	s8 =	simm.s32 @!p0 $0x1BF5;
	p2 =	por !p2, p0  }
0x20: {  	[sflag:s8] =	ssyncset.s32 @!p0 $0xFFFFF086;
	s6 =	sadd.s32 @!p0 s3, s7;
	s7 =	simm.s32 @!p0 $0x108  }
0x21: {  	s3 =	sadd.s32 s3, s9;
	s6 =	sadd.s32 @!p0 $0x88, s6;
	s7 =	simm.s32 @p2 $0x1082  }
0x22: {  	[simem:s7], [sflag:s8] =	dma.local @!p0 [hbm:s6], $0xF7A  }
0x23: {  	s9 =	sor.u32 $0xD0000000, s2;
	s6 =	simm.s32 $0x108;
	_ =	swait.ge @!p0 [sflag:s8], $0x0  }
0x24: {  	s3 =	sadd.s32 $0x88, s3;
	s6 =	simm.s32 @!p1 $0x1082;
	[sflag:s4] =	ssyncset.s32 $0xFFFFF086  }
0x25: {  	[simem:s6], [sflag:s4] =	dma.local [hbm:s3], $0xF7A  }
0x26: {  	[smem:$0x3F9D] =	sst s1;
	(tag) =	ssettag s2;
	_ =	strace s9  }
0x27: {  	s1 =	sld [smem:$0x3FAD]  }
0x28: {  	s2 =	sld [smem:$0x3FAE]  }
0x29: {  	s4 =	sld [smem:$0x3FB0]  }
0x2a: {  	p0 =	seq.s32 s5, $0x0;
	s5 =	sld [smem:$0x3FB1]  }
0x2b: {  	s6 =	sld [smem:$0x3FB2]  }
0x2c: {  	s7 =	sld [smem:$0x3FB3]  }
0x2d: {  	s3 =	simm.s32 $0x108;
	s8 =	sld [smem:$0x3FB4]  }
0x2e: {  	s3 =	simm.s32 @!p0 $0x1082;
	s9 =	sld [smem:$0x3FB5]  }
0x2f: {  	lr =	sadd.s32 s0, s3;
	s0 =	sld [smem:$0x3FAC]  }
0x30: {  	s3 =	sld [smem:$0x3FAF]  }
0x31: {  	[smem:$0x3FB8] =	sst s10  }
0x32: {  	s10 =	sld [smem:$0x3FB6];
	_ =	sdelay $0x3  }
0x33: {  	p0 =	seq.s32 s10, $0x1;
	s10 =	sld [smem:$0x3FB8];
	_ =	sdelay $0x3  }
0x34: {  	[smem:$0x3FB8] =	sst s10  }
0x35: {  	s10 =	sld [smem:$0x3FB7];
	_ =	sdelay $0x3  }
0x36: {  	p1 =	seq.s32 s10, $0x1;
	s10 =	sld [smem:$0x3FB8];
	_ =	sdelay $0x3  }
0x37: {  	[smem:$0x3FB8] =	sst s10  }
0x38: {  	s10 =	sld [smem:$0x3FB9]  }
0x39: {  	_ = 	snop;
	(pc) =	sbr.ind lr, $3  }
0x3a: {  	_ = 	snop  }
0x3b: {  	_ = 	snop  }
0x3c: {  	p2 =	seq.s32 s10, $0x1;
	s10 =	sld [smem:$0x3FB8]  }
0x3d: {  	_ =	shalt  }
0x3e: {  	_ =	shalt  }
0x3f: {  	_ =	shalt  }
0x40: {  	_ =	shalt  }
0x41: {  	_ =	shalt  }
0x42: {  	_ =	shalt  }
0x43: {  	_ =	shalt  }
0x44: {  	_ =	shalt  }
0x45: {  	_ =	shalt  }
0x46: {  	_ =	shalt  }
0x47: {  	_ =	shalt  }
0x48: {  	_ =	shalt  }
0x49: {  	_ =	shalt  }
0x4a: {  	_ =	shalt  }
0x4b: {  	_ =	shalt  }
0x4c: {  	_ =	shalt  }
0x4d: {  	_ =	shalt  }
0x4e: {  	_ =	shalt  }
0x4f: {  	_ =	shalt  }
0x50: {  	_ =	shalt  }
0x51: {  	_ =	shalt  }
0x52: {  	_ =	shalt  }
0x53: {  	_ =	shalt  }
0x54: {  	_ =	shalt  }
0x55: {  	_ =	shalt  }
0x56: {  	_ =	shalt  }
0x57: {  	_ =	shalt  }
0x58: {  	_ =	shalt  }
0x59: {  	_ =	shalt  }
0x5a: {  	_ =	shalt  }
0x5b: {  	_ =	shalt  }
0x5c: {  	_ =	shalt  }
0x5d: {  	_ =	shalt  }
0x5e: {  	_ =	shalt  }
0x5f: {  	_ =	shalt  }
0x60: {  	_ =	shalt  }
0x61: {  	_ =	shalt  }
0x62: {  	_ =	shalt  }
0x63: {  	_ =	shalt  }
0x64: {  	_ =	shalt  }
0x65: {  	_ =	shalt  }
0x66: {  	_ =	shalt  }
0x67: {  	_ =	shalt  }
0x68: {  	_ =	shalt  }
0x69: {  	_ =	shalt  }
0x6a: {  	_ =	shalt  }
0x6b: {  	_ =	shalt  }
0x6c: {  	_ =	shalt  }
0x6d: {  	_ =	shalt  }
0x6e: {  	_ =	shalt  }
0x6f: {  	_ =	shalt  }
0x70: {  	_ =	shalt  }
0x71: {  	_ =	shalt  }
0x72: {  	_ =	shalt  }
0x73: {  	_ =	shalt  }
0x74: {  	_ =	shalt  }
0x75: {  	_ =	shalt  }
0x76: {  	_ =	shalt  }
0x77: {  	_ =	shalt  }
0x78: {  	_ =	shalt  }
0x79: {  	_ =	shalt  }
0x7a: {  	_ =	shalt  }
0x7b: {  	_ =	shalt  }
0x7c: {  	_ =	shalt  }
0x7d: {  	_ =	shalt  }
0x7e: {  	_ =	shalt  }
0x7f: {  	_ =	shalt  }
0x80: {  	_ =	shalt  }
0x81: {  	_ =	shalt  }
0x82: {  	_ =	shalt  }
0x83: {  	_ =	shalt  }
0x84: {  	_ =	shalt  }
0x85: {  	_ =	shalt  }
0x86: {  	_ =	shalt  }
0x87: {  	_ =	shalt  }
.Lfunc_end0:
.L_simem_size_0:
called_computation_lowered:
.L_overlay_start_0:
0x88: {  	s2 =	sld [smem:$0x3FD9]  }
0x89: {  	s3 =	sld [smem:$0x3FFE];
	_ =	sdelay $0x1  }
0x8a: {  	s1 =	srdreg.scid  }
0x8b: {  	s0 =	sand.u32 $0x1, s1  }
0x8c: {  	s18 =	sshll.u32 s0, $0xA;
	s2 =	sadd.s32 s3, s2  }
0x8d: {  	s2 =	sadd.s32 s2, s18  }
0x8e: {  	[smem:$0x3FC4] =	sst s2  }
0x8f: {  	_ = 	snop  }
0x90: {  	s2 =	sld [smem:$0x3FC9]  }
0x91: {  	s19 =	sld [smem:$0x3FC8]  }
0x92: {  	s4 =	sld [smem:$0x3FC7]  }
0x93: {  	s5 =	sld [smem:$0x3FC6]  }
0x94: {  	s6 =	sld [smem:$0x3FD0];
	(tm) =	ssettm $0x1  }
0x95: {  	s7 =	sld [smem:$0x3FFB];
	_ =	sdelay $0x3  }
0x96: {  	_ =	strace s7  }
0x97: {  	s7 =	sld [smem:$0x3FFC];
	_ =	sdelay $0x3  }
0x98: {  	_ =	strace s7  }
0x99: {  	s7 =	sld [smem:$0x3FFD];
	_ =	sdelay $0x3  }
0x9a: {  	_ =	strace s7  }
0x9b: {  	_ =	strace $0x8FFFFFFF  }
0x9c: {  	s20 =	sld [smem:$0x3FDB];
	_ =	sdelay $0x1  }
0x9d: {  	s8 =	simm.s32 $_scs_section_size  }
0x9e: {  	s9 =	simm.s32 $_size__tile_overlayer_lowered;
	s10 =	simm.s32 $_tile_overlayer_lowered  }
0x9f: {  	s23 =	simm.s32 $0x1BFF;
	s22 =	sshll.u32 s10, $0x1;
	s7 =	sadd.s32 s8, s20  }
0xa0: {  	s11 =	simm.s32 $0x0;
	s21 =	sshll.u32 s9, $0x1;
	s9 =	sadd.s32 s22, s7  }
0xa1: {  	[timem:s11], [sflag:s23] =	dma.local [hbm:s9], s21  }
0xa2: {  	_ =	swait.ge [sflag:s23], s21  }
0xa3: {  	s8 =	ssub.s32 $0x0, s21;
	[sflag:s23] =	ssyncset.done $0x0  }
0xa4: {  	[sflag:s23] =	ssyncadd.s32 s8;
	_ =	sdelay $0x1  }
0xa5: {  	s24 =	simm.s32 $0x1B8B  }
0xa6: {  	_ =	swait.ge [sflag:s24], $0x1  }
0xa7: {  	[sflag:s24] =	ssyncset.done $0x0  }
0xa8: {  	s25 =	simm.s32 $0x1B8E;
	[sflag:s24] =	ssyncadd.s32 $0xFFFFFFFF  }
0xa9: {  	s26 =	simm.s32 $execute0_lowered;
	[smem:$0x3FD2] =	sst s25  }
0xaa: {  	s8 =	sshll.u32 s26, $0x1;
	_ =	strace $0x80000046;
	[dreg:$0x1] =	wrdreg $0xFFFFFFFF  }
0xab: {  	s28 =	simm.s32 $_size_execute0_lowered;
	s7 =	sadd.s32 s7, s8;
	[dreg:$0x0] =	wrdreg $0x0  }
0xac: {  	s8 =	sshll.u32 s28, $0x1;
	[dreg:$0x2] =	wrdreg s7  }
0xad: {  	[dreg:$0x3] =	wrdreg s8  }
0xae: {  	[dreg:$0x4] =	wrdreg $0xC0  }
0xaf: {  	_ =	task [dreg:s11], $0x5FFFF  }
0xb0: {  	[dreg:$0x1] =	wrdreg $0xFFFFFFFF  }
0xb1: {  	[dreg:$0x0] =	wrdreg $0x60  }
0xb2: {  	[dreg:$0x2] =	wrdreg s2  }
0xb3: {  	[dreg:$0x3] =	wrdreg s19  }
0xb4: {  	[dreg:$0x4] =	wrdreg s4  }
0xb5: {  	[dreg:$0x5] =	wrdreg s5  }
0xb6: {  	[dreg:$0x6] =	wrdreg s6  }
0xb7: {  	[dreg:$0x7] =	wrdreg $0x9  }
0xb8: {  	_ =	task.clear_ibuf [dreg:s11], $0x8FFFF;
	_ =	strace $0x90000046  }
0xb9: {  	s29 =	simm.s32 $0x9;
	_ =	strace $0x80000048  }
0xba: {  	_ =	swait.ge [sflag:s29], $0x1  }
0xbb: {  	[sflag:s29] =	ssyncadd.s32 $0xFFFFFFFF  }
0xbc: {  	_ =	strace $0x90000048  }
0xbd: {  	_ =	sfence  }
0xbe: {  	s30 =	sld [smem:$0x0];
	_ =	sdelay $0x2  }
0xbf: {  	s31 =	sshll.u32 s1, $0xD;
	s1 =	sshrl.u32 s1, $0x2  }
0xc0: {  	s3 =	sand.u32 $0x4000, s31;
	s1 =	sadd.s32 s1, s30  }
0xc1: {  	s0 =	sor.u32 s3, s0;
	s1 =	sshll.u32 s1, $0x11  }
0xc2: {  	s0 =	sor.u32 s1, s0  }
0xc3: {  	s0 =	sadd.s32 $0x8F2B, s0  }
0xc4: {  	[sflag:s0] =	ssyncadd.remote.s32 $0x1  }
0xc5: {  	_ =	sfence.sel $0xFFFF  }
0xc6: {  	[dreg:$0x0] =	wrdreg $0xFFFFFFFF;
	(pc) =	sbr.abs _section_cstart, $3  }
0xc7: {  	[dreg:$0x1] =	wrdreg $0xFFFFFFFF  }
0xc8: {  	_ =	task.clear_ibuf [dreg:s11], $0x2FFFF;
	_ =	strace $0x9FFFFFFF  }
0xc9: {  	(tm) =	ssettm $0x7FFFFFFF  }
tec
execute0_lowered:
.L_overlay_start_1:
0x0: {  	(tag) =	ssettag $0x1  }
0x1: {  	s0 =	rddreg [dreg:$0x0]  }
0x2: {  	s3 =	rddreg [dreg:$0x1]  }
0x3: {  	s1 =	rddreg [dreg:$0x2]  }
0x4: {  	s2 =	rddreg [dreg:$0x3]  }
0x5: {  	v0 =	vlaneseq.u32;
	s5 =	rddreg [dreg:$0x4]  }
0x6: {  	s6 =	srdreg.scid;
	s4 =	simm.s32 $0x0;
	s9 =	stileid.u32;
	v0 =	vmul.u32 $0x400, v0  }
0x7: {  	s25 =	simm.s32 $0x1;
	s26 =	simm.s32 $0x500;
	s29 =	simm.s32 $0x0  }
0x8: {  	s6 =	sand.u32 $0x1, s6;
	[smem:$0x7FF] =	sst s4;
	s9 =	sshll.u32 s9, $0x7;
	v1 =	vor.u32 $0x80, v0  }
0x9: {  	s10 =	sadd.s32 $0x8, s1;
	s11 =	sadd.s32 $0x6, s1;
	s12 =	sadd.s32 $0x4, s1;
	v2 =	vor.u32 $0x100, v0;
	v3 =	vor.u32 $0x180, v0;
	v4 =	vor.u32 $0x200, v0  }
0xa: {  	s13 =	sadd.s32 $0x2, s1;
	s14 =	sadd.s32 $0xE, s2;
	s15 =	sadd.s32 $0xC, s2;
	v5 =	vor.u32 $0x280, v0;
	v6 =	vor.u32 $0x300, v0;
	v7 =	vor.u32 $0x380, v0  }
0xb: {  	s16 =	sadd.s32 $0xA, s2;
	s17 =	sadd.s32 $0x8, s2;
	s18 =	sadd.s32 $0x6, s2;
	v8 =	vor.u32 $0x4000, v0;
	v9 =	vor.u32 $0x4080, v0;
	v10 =	vor.u32 $0x4100, v0  }
0xc: {  	s19 =	sadd.s32 $0x4, s2;
	s7 =	ssub.s32 $0x2, s6;
	s6 =	sshll.u32 s6, $0x6;
	v11 =	vor.u32 $0x4180, v0;
	v12 =	vor.u32 $0x4200, v0;
	v13 =	vor.u32 $0x4280, v0  }
0xd: {  	s20 =	sadd.s32 $0x2, s2;
	_ =	strace $0x80000047;
	s6 =	sor.u32 s6, s9;
	v14 =	vor.u32 $0x4300, v0;
	v15 =	vor.u32 $0x4380, v0;
	v16 =	vor.u32 $0x8000, v0  }
.Ltmp0:
0xe: {  	s8 =	sshrl.u32 s7, $0x1;
	v17 =	vor.u32 $0x8080, v0;
	v18 =	vor.u32 $0x8100, v0;
	v19 =	vor.u32 $0x8180, v0;
	s0 =	sadd.s32 s0, s6;
	(pc) =	sbr.rel .LBB2_1-.Ltmp0, $4  }
0xf: {  	s9 =	sadd.s32 $0xA, s1;
	v20 =	vor.u32 $0x8200, v0;
	v21 =	vor.u32 $0x8280, v0;
	v22 =	vor.u32 $0x8300, v0;
	s28 =	sadd.s32 s3, s6;
	[dreg:$0x6] =	wrdreg s0  }
0x10: {  	v23 =	vor.u32 $0x8380, v0;
	v24 =	vor.u32 $0xC000, v0;
	v25 =	vor.u32 $0xC080, v0;
	s21 =	ssub.s32 s7, s8;
	s30 =	sadd.s32 s5, s6;
	[dreg:$0x7] =	wrdreg s28  }
0x11: {  	v26 =	vor.u32 $0xC100, v0;
	v27 =	vor.u32 $0xC180, v0;
	v28 =	vor.u32 $0xC200, v0;
	s7 =	sadd.s32 $0xE, s1;
	[dreg:$0x8] =	wrdreg s30;
	s31 =	smax.u32 s21, $0x1  }
0x12: {  	v29 =	vor.u32 $0xC280, v0;
	v30 =	vor.u32 $0xC300, v0;
	v31 =	vor.u32 $0xC380, v0;
	s8 =	sadd.s32 $0xC, s1;
	s3 =	simm.s32 $0x2;
	[dreg:$0x9] =	wrdreg s31  }
.LBB2_67:
0x13: {  	s0 =	rddreg [dreg:$0x8];
	s3 =	simm.s32 $0x10500  }
0x14: {  	[hbm4b:s0+s4] =	stream.linear.scatter [tilespmem:s3], [sflag:$0x2], $0x200, $0x38;
	[tilespmem:$0x10700] =	vst v63  }
0x15: {  	s3 =	simm.s32 $0x2  }
0x16: {  	_ =	swait.ge [sflag:s3], $0x200  }
0x17: {  	s29 =	sadd.s32 $0x1, s29;
	s31 =	rddreg [dreg:$0x9]  }
0x18: {  	p0 =	sne.s32 s29, s31  }
.Ltmp1:
0x19: {  	_ = 	snop;
	(pc) =	sbr.rel @!p0 .LBB2_68-.Ltmp1, $3  }
0x1a: {  	_ =	sdelay $0x1  }
0x1b: {  	[sflag:s3] =	ssyncset.done $0x0  }
0x1c: {  	[sflag:s3] =	ssyncadd.s32 $0xFFFFFE00  }
.LBB2_1:
0x1d: {  	s0 =	rddreg [dreg:$0x6]  }
0x1e: {  	[tilespmem:s4], [sflag:$0x2] =	stream.linear.gather [hbm4b:s0+s4], $0x200, $0x38;
	[tilespmem:$0x10700] =	vst v63  }
0x1f: {  	_ =	swait.ge [sflag:s3], $0x200  }
0x20: {  	s5 =	simm.s32 $0x280;
	[sflag:s3] =	ssyncset.done $0x0  }
.Ltmp2:
0x21: {  	s31 =	rddreg [dreg:$0x7];
	[sflag:s3] =	ssyncadd.s32 $0xFFFFFE00;
	(pc) =	sbr.rel .LBB2_2-.Ltmp2, $4  }
0x22: {  	[tilespmem:s5], [sflag:$0x2] =	stream.linear.gather [hbm4b:s31+s4], $0x200, $0x38;
	[tilespmem:$0x10700] =	vst v63  }
0x23: {  	_ =	swait.ge [sflag:s3], $0x200  }
0x24: {  	[sflag:s3] =	ssyncset.done $0x0  }
0x25: {  	s30 =	simm.s32 $0x0;
	[sflag:s3] =	ssyncadd.s32 $0xFFFFFE00  }
.LBB2_66:
0x26: {  	_ =	swait.ge [sflag:s25], $0x4000  }
0x27: {  	[sflag:s25] =	ssyncset.done $0x0  }
0x28: {  	[sflag:s25] =	ssyncadd.s32 $0xFFFFC000  }
0x29: {  	v32 =	vld [tilespmem:s31+$0x0]  }
0x2a: {  	v34 =	vld [tilespmem:s31+$0x280];
	_ =	sdelay $0x4  }
0x2b: {  	v33 =	vand.u32 $0xF, v32;
	v51 =	vor.u32 $0x40, v34  }
0x2c: {  	v52 =	vor.u32 v0, v33;
	v32 =	vand.u32 $0x4F, v51  }
0x2d: {  	v35 =	vor.u32 v0, v32  }
0x2e: {  	v36 =	vor.u32 v1, v33  }
0x2f: {  	v37 =	vor.u32 v1, v32  }
0x30: {  	v38 =	vor.u32 v2, v33  }
0x31: {  	v39 =	vor.u32 v2, v32;
	v34 =	vld.idx.msk [tilespmem:v52+s26+$0x0], $0xffff  }
0x32: {  	v40 =	vor.u32 v3, v33;
	v35 =	vld.idx.msk [tilespmem:v35+s26+$0x0], $0xffff  }
0x33: {  	v41 =	vor.u32 v3, v32;
	v36 =	vld.idx.msk [tilespmem:v36+s26+$0x0], $0xffff  }
0x34: {  	v42 =	vor.u32 v4, v33;
	v37 =	vld.idx.msk [tilespmem:v37+s26+$0x0], $0xffff  }
0x35: {  	v43 =	vor.u32 v4, v32;
	v38 =	vld.idx.msk [tilespmem:v38+s26+$0x0], $0xffff  }
0x36: {  	v44 =	vor.u32 v5, v33;
	v39 =	vld.idx.msk [tilespmem:v39+s26+$0x0], $0xffff  }
0x37: {  	v54 =	vor.u32 v5, v32;
	v53 =	vld.idx.msk [tilespmem:v40+s26+$0x0], $0xffff;
	v34 =	vmul.f32 v35, v34  }
0x38: {  	v45 =	vor.u32 v6, v33;
	v41 =	vld.idx.msk [tilespmem:v41+s26+$0x0], $0xffff  }
0x39: {  	v56 =	vor.u32 v6, v32;
	v55 =	vld.idx.msk [tilespmem:v42+s26+$0x0], $0xffff;
	v36 =	vmul.f32 v37, v36;
	v34 =	vadd.f32 $0.0e+00, v34  }
0x3a: {  	v46 =	vor.u32 v7, v33;
	v43 =	vld.idx.msk [tilespmem:v43+s26+$0x0], $0xffff  }
0x3b: {  	v59 =	vor.u32 v7, v32;
	v58 =	vld.idx.msk [tilespmem:v44+s26+$0x0], $0xffff;
	v57 =	vmul.f32 v39, v38;
	v34 =	vadd.f32 v36, v34  }
0x3c: {  	v60 =	vor.u32 v8, v33;
	v40 =	vld.idx.msk [tilespmem:v54+s26+$0x0], $0xffff  }
0x3d: {  	v62 =	vor.u32 v8, v32;
	v61 =	vld.idx.msk [tilespmem:v45+s26+$0x0], $0xffff;
	v35 =	vmul.f32 v41, v53;
	v34 =	vadd.f32 v57, v34  }
0x3e: {  	v50 =	vor.u32 v9, v32;
	v42 =	vld.idx.msk [tilespmem:v56+s26+$0x0], $0xffff  }
0x3f: {  	v63 =	vor.u32 v9, v33;
	v49 =	vld.idx.msk [tilespmem:v46+s26+$0x0], $0xffff;
	v48 =	vmul.f32 v43, v55;
	v34 =	vadd.f32 v35, v34  }
0x40: {  	v51 =	vor.u32 v10, v33;
	v39 =	vld.idx.msk [tilespmem:v59+s26+$0x0], $0xffff  }
0x41: {  	v54 =	vor.u32 v10, v32;
	v52 =	vmul.f32 v40, v58;
	v53 =	vld.idx.msk [tilespmem:v60+s26+$0x0], $0xffff;
	v34 =	vadd.f32 v48, v34  }
0x42: {  	v41 =	vld.idx.msk [tilespmem:v62+s26+$0x0], $0xffff;
	v55 =	vor.u32 v11, v33  }
0x43: {  	v56 =	vmul.f32 v42, v61;
	v58 =	vor.u32 v11, v32;
	v43 =	vld.idx.msk [tilespmem:v50+s26+$0x0], $0xffff;
	v34 =	vadd.f32 v52, v34  }
0x44: {  	v62 =	vor.u32 v12, v32;
	v57 =	vld.idx.msk [tilespmem:v63+s26+$0x0], $0xffff  }
0x45: {  	v59 =	vor.u32 v12, v33;
	v61 =	vld.idx.msk [tilespmem:v51+s26+$0x0], $0xffff;
	v60 =	vmul.f32 v39, v49;
	v34 =	vadd.f32 v56, v34  }
0x46: {  	v40 =	vld.idx.msk [tilespmem:v54+s26+$0x0], $0xffff;
	v50 =	vor.u32 v13, v32  }
0x47: {  	v49 =	vld.idx.msk [tilespmem:v55+s26+$0x0], $0xffff;
	v63 =	vor.u32 v13, v33;
	v48 =	vmul.f32 v41, v53;
	v34 =	vadd.f32 v60, v34  }
0x48: {  	v54 =	vor.u32 v14, v32;
	v42 =	vld.idx.msk [tilespmem:v58+s26+$0x0], $0xffff  }
0x49: {  	v51 =	vor.u32 v14, v33;
	v39 =	vld.idx.msk [tilespmem:v62+s26+$0x0], $0xffff;
	v52 =	vmul.f32 v43, v57;
	v34 =	vadd.f32 v48, v34  }
0x4a: {  	v58 =	vor.u32 v15, v32;
	v53 =	vld.idx.msk [tilespmem:v59+s26+$0x0], $0xffff  }
0x4b: {  	v55 =	vor.u32 v15, v33;
	v41 =	vld.idx.msk [tilespmem:v50+s26+$0x0], $0xffff;
	v56 =	vmul.f32 v40, v61;
	v34 =	vadd.f32 v52, v34  }
0x4c: {  	v62 =	vor.u32 v16, v32;
	v57 =	vld.idx.msk [tilespmem:v63+s26+$0x0], $0xffff  }
0x4d: {  	v59 =	vor.u32 v16, v33;
	v43 =	vld.idx.msk [tilespmem:v54+s26+$0x0], $0xffff;
	v60 =	vmul.f32 v42, v49;
	v34 =	vadd.f32 v56, v34  }
0x4e: {  	v50 =	vor.u32 v17, v32;
	v61 =	vld.idx.msk [tilespmem:v51+s26+$0x0], $0xffff  }
0x4f: {  	v63 =	vor.u32 v17, v33;
	v40 =	vld.idx.msk [tilespmem:v58+s26+$0x0], $0xffff;
	v48 =	vmul.f32 v39, v53;
	v34 =	vadd.f32 v60, v34  }
0x50: {  	v54 =	vor.u32 v18, v32;
	v49 =	vld.idx.msk [tilespmem:v55+s26+$0x0], $0xffff  }
0x51: {  	v51 =	vor.u32 v18, v33;
	v42 =	vld.idx.msk [tilespmem:v62+s26+$0x0], $0xffff;
	v52 =	vmul.f32 v41, v57;
	v34 =	vadd.f32 v48, v34  }
0x52: {  	v58 =	vor.u32 v19, v32;
	v53 =	vld.idx.msk [tilespmem:v59+s26+$0x0], $0xffff  }
0x53: {  	v55 =	vor.u32 v19, v33;
	v39 =	vld.idx.msk [tilespmem:v50+s26+$0x0], $0xffff;
	v56 =	vmul.f32 v43, v61;
	v34 =	vadd.f32 v52, v34  }
0x54: {  	v62 =	vor.u32 v20, v32;
	v57 =	vld.idx.msk [tilespmem:v63+s26+$0x0], $0xffff  }
0x55: {  	v59 =	vor.u32 v20, v33;
	v41 =	vld.idx.msk [tilespmem:v54+s26+$0x0], $0xffff;
	v60 =	vmul.f32 v40, v49;
	v34 =	vadd.f32 v56, v34  }
0x56: {  	v50 =	vor.u32 v21, v32;
	v61 =	vld.idx.msk [tilespmem:v51+s26+$0x0], $0xffff  }
0x57: {  	v63 =	vor.u32 v21, v33;
	v43 =	vld.idx.msk [tilespmem:v58+s26+$0x0], $0xffff;
	v48 =	vmul.f32 v42, v53;
	v34 =	vadd.f32 v60, v34  }
0x58: {  	v54 =	vor.u32 v22, v32;
	v49 =	vld.idx.msk [tilespmem:v55+s26+$0x0], $0xffff  }
0x59: {  	v51 =	vor.u32 v22, v33;
	v40 =	vld.idx.msk [tilespmem:v62+s26+$0x0], $0xffff;
	v52 =	vmul.f32 v39, v57;
	v34 =	vadd.f32 v48, v34  }
0x5a: {  	v58 =	vor.u32 v23, v32;
	v53 =	vld.idx.msk [tilespmem:v59+s26+$0x0], $0xffff  }
0x5b: {  	v55 =	vor.u32 v23, v33;
	v42 =	vld.idx.msk [tilespmem:v50+s26+$0x0], $0xffff;
	v56 =	vmul.f32 v41, v61;
	v34 =	vadd.f32 v52, v34  }
0x5c: {  	v62 =	vor.u32 v24, v32;
	v57 =	vld.idx.msk [tilespmem:v63+s26+$0x0], $0xffff  }
0x5d: {  	v59 =	vor.u32 v24, v33;
	v39 =	vld.idx.msk [tilespmem:v54+s26+$0x0], $0xffff;
	v60 =	vmul.f32 v43, v49;
	v34 =	vadd.f32 v56, v34  }
0x5e: {  	v50 =	vor.u32 v25, v32;
	v61 =	vld.idx.msk [tilespmem:v51+s26+$0x0], $0xffff  }
0x5f: {  	v63 =	vor.u32 v25, v33;
	v41 =	vld.idx.msk [tilespmem:v58+s26+$0x0], $0xffff;
	v48 =	vmul.f32 v40, v53;
	v34 =	vadd.f32 v60, v34  }
0x60: {  	v54 =	vor.u32 v26, v32;
	v49 =	vld.idx.msk [tilespmem:v55+s26+$0x0], $0xffff  }
0x61: {  	v51 =	vor.u32 v26, v33;
	v43 =	vld.idx.msk [tilespmem:v62+s26+$0x0], $0xffff;
	v52 =	vmul.f32 v42, v57;
	v34 =	vadd.f32 v48, v34  }
0x62: {  	v58 =	vor.u32 v27, v32;
	v53 =	vld.idx.msk [tilespmem:v59+s26+$0x0], $0xffff  }
0x63: {  	v55 =	vor.u32 v27, v33;
	v40 =	vld.idx.msk [tilespmem:v50+s26+$0x0], $0xffff;
	v56 =	vmul.f32 v39, v61;
	v34 =	vadd.f32 v52, v34  }
0x64: {  	v62 =	vor.u32 v28, v32;
	v57 =	vld.idx.msk [tilespmem:v63+s26+$0x0], $0xffff  }
0x65: {  	v59 =	vor.u32 v28, v33;
	v42 =	vld.idx.msk [tilespmem:v54+s26+$0x0], $0xffff;
	v60 =	vmul.f32 v41, v49;
	v34 =	vadd.f32 v56, v34  }
0x66: {  	v50 =	vor.u32 v29, v32;
	v61 =	vld.idx.msk [tilespmem:v51+s26+$0x0], $0xffff  }
0x67: {  	v63 =	vor.u32 v29, v33;
	v39 =	vld.idx.msk [tilespmem:v58+s26+$0x0], $0xffff;
	v48 =	vmul.f32 v43, v53;
	v34 =	vadd.f32 v60, v34  }
0x68: {  	v51 =	vor.u32 v30, v33;
	v49 =	vld.idx.msk [tilespmem:v55+s26+$0x0], $0xffff  }
0x69: {  	v54 =	vor.u32 v30, v32;
	v41 =	vld.idx.msk [tilespmem:v62+s26+$0x0], $0xffff;
	v52 =	vmul.f32 v40, v57;
	v34 =	vadd.f32 v48, v34  }
0x6a: {  	v32 =	vor.u32 v31, v32;
	v53 =	vld.idx.msk [tilespmem:v59+s26+$0x0], $0xffff  }
0x6b: {  	v33 =	vor.u32 v31, v33;
	v55 =	vmul.f32 v42, v61;
	v57 =	vld.idx.msk [tilespmem:v50+s26+$0x0], $0xffff;
	v34 =	vadd.f32 v52, v34  }
0x6c: {  	v56 =	vld.idx.msk [tilespmem:v63+s26+$0x0], $0xffff  }
0x6d: {  	v59 =	vld.idx.msk [tilespmem:v51+s26+$0x0], $0xffff;
	v58 =	vmul.f32 v39, v49;
	v34 =	vadd.f32 v55, v34  }
0x6e: {  	v60 =	vld.idx.msk [tilespmem:v54+s26+$0x0], $0xffff  }
0x6f: {  	v32 =	vld.idx.msk [tilespmem:v32+s26+$0x0], $0xffff;
	v61 =	vmul.f32 v41, v53;
	v34 =	vadd.f32 v58, v34  }
0x70: {  	v33 =	vld.idx.msk [tilespmem:v33+s26+$0x0], $0xffff  }
0x71: {  	v62 =	vmul.f32 v57, v56;
	v34 =	vadd.f32 v61, v34;
	_ =	sdelay $0x1  }
0x72: {  	v63 =	vmul.f32 v60, v59;
	v34 =	vadd.f32 v62, v34;
	_ =	sdelay $0x1  }
0x73: {  	v32 =	vmul.f32 v32, v33;
	v34 =	vadd.f32 v63, v34;
	_ =	sdelay $0x1  }
0x74: {  	v32 =	vadd.f32 v32, v34;
	_ =	sdelay $0x1  }
0x75: {  	v32 =	vsub.f32 $0.0e+00, v32;
	_ =	sdelay $0x1  }
0x76: {  	v32 =	vmul.f32 $1.442695020e+00, v32;
	_ =	sdelay $0x1  }
0x77: {  	(erf) = vpow2.f32 v32;
	_ =	sdelay $0x8  }
0x78: {  	v32 =	vpop (erf)  }
0x79: {  	v32 =	vadd.f32 $1.000000000e+00, v32;
	_ =	sdelay $0x1  }
0x7a: {  	(erf) = vrcp.f32 v32;
	_ =	sdelay $0x3  }
0x7b: {  	s30 =	sadd.s32 $0x1, s30  }
0x7c: {  	p0 =	sne.s32 s30, $0x20  }
.Ltmp3:
0x7d: {  	_ = 	snop;
	(pc) =	sbr.rel @!p0 .LBB2_67-.Ltmp3, $3  }
0x7e: {  	_ =	sdelay $0x1  }
0x7f: {  	v32 =	vpop (erf)  }
0x80: {  	[tilespmem:s31+$0x10500] =	vst v32  }
.LBB2_2:
.Ltmp4:
0x81: {  	(pc) =	sbr.rel .LBB2_3-.Ltmp4, $2  }
0x82: {  	_ =	sdelay $0x2  }
0x83: {  	s31 =	sshll.u32 s30, $0x4;
	s0 =	simm.s32 $0x0;
	s3 =	simm.s32 $0x500  }
.LBB2_64:
0x84: {  	[tilespmem:s21], [sflag:$0x1] =	stream.linear.gather [hbm4b:s6+s4], $0x10, $0x38;
	[tilespmem:$0x10700] =	vst v63  }
0x85: {  	s5 =	sadd.s32 s28, s3  }
0x86: {  	s22 =	sadd.s32 $0x40, s5  }
0x87: {  	[tilespmem:s22], [sflag:$0x1] =	stream.linear.gather [hbm4b:s24+s4], $0x10, $0x38;
	[tilespmem:$0x10700] =	vst v63  }
0x88: {  	s23 =	sadd.s32 $0x10, s24;
	s28 =	sadd.s32 $0xC0, s5  }
0x89: {  	[tilespmem:s28], [sflag:$0x1] =	stream.linear.gather [hbm4b:s23+s4], $0x10, $0x38;
	[tilespmem:$0x10700] =	vst v63  }
0x8a: {  	s21 =	sadd.s32 $0x20, s24;
	s22 =	sadd.s32 $0x140, s5  }
0x8b: {  	[tilespmem:s22], [sflag:$0x1] =	stream.linear.gather [hbm4b:s21+s4], $0x10, $0x38;
	[tilespmem:$0x10700] =	vst v63  }
0x8c: {  	s23 =	sadd.s32 $0x30, s24;
	s28 =	sadd.s32 $0x1C0, s5  }
0x8d: {  	[tilespmem:s28], [sflag:$0x1] =	stream.linear.gather [hbm4b:s23+s4], $0x10, $0x38;
	[tilespmem:$0x10700] =	vst v63  }
0x8e: {  	s21 =	sadd.s32 $0x40, s24;
	s22 =	sadd.s32 $0x240, s5  }
0x8f: {  	[tilespmem:s22], [sflag:$0x1] =	stream.linear.gather [hbm4b:s21+s4], $0x10, $0x38;
	[tilespmem:$0x10700] =	vst v63  }
0x90: {  	s23 =	sadd.s32 $0x50, s24;
	s28 =	sadd.s32 $0x2C0, s5  }
0x91: {  	[tilespmem:s28], [sflag:$0x1] =	stream.linear.gather [hbm4b:s23+s4], $0x10, $0x38;
	[tilespmem:$0x10700] =	vst v63  }
0x92: {  	s22 =	sadd.s32 $0x60, s24;
	s23 =	sadd.s32 $0x340, s5  }
0x93: {  	[tilespmem:s23], [sflag:$0x1] =	stream.linear.gather [hbm4b:s22+s4], $0x10, $0x38;
	[tilespmem:$0x10700] =	vst v63  }
0x94: {  	s28 =	sadd.s32 $0x70, s24;
	s5 =	sadd.s32 $0x3C0, s5  }
0x95: {  	[tilespmem:s5], [sflag:$0x1] =	stream.linear.gather [hbm4b:s28+s4], $0x10, $0x38;
	[tilespmem:$0x10700] =	vst v63  }
.LBB2_65:
0x96: {  	s0 =	sadd.s32 $0x1, s0  }
0x97: {  	p0 =	sne.s32 s0, $0x10  }
.Ltmp5:
0x98: {  	_ = 	snop;
	(pc) =	sbr.rel @!p0 .LBB2_66-.Ltmp5, $2  }
0x99: {  	_ =	sdelay $0x2  }
0x9a: {  	s3 =	sadd.s32 $0x400, s3  }
.LBB2_3:
0x9b: {  	s5 =	sor.u32 s31, s0  }
0x9c: {  	v32 =	vld [tilespmem:s5+$0x0];
	_ =	sdelay $0x4  }
0x9d: {  	(v2sf) =	vpush v32, $0x0;
	_ =	sdelay $0x2  }
0x9e: {  	v33 =	vld [tilespmem:s5+$0x280];
	_ =	sdelay $0x4  }
0x9f: {  	(v2sf) =	vpush v33, $0x0;
	_ =	sdelay $0x6  }
0xa0: {  	s23 =	spop (v2sf)  }
0xa1: {  	s6 =	sshrl.u32 s23, $0x4  }
0xa2: {  	s28 =	sand.u32 $0x7, s6  }
0xa3: {  	p0 =	sgt.s32 s28, $0x3  }
.Ltmp6:
0xa4: {  	_ = 	snop;
	(pc) =	sbr.rel @p0 .LBB2_9-.Ltmp6, $2  }
0xa5: {  	_ =	sdelay $0x2  }
0xa6: {  	s24 =	spop (v2sf);
	s5 =	sand.u32 $0x1FFFFF80, s23  }
0xa7: {  	p0 =	sgt.s32 s28, $0x1  }
.Ltmp7:
0xa8: {  	_ = 	snop;
	(pc) =	sbr.rel @p0 .LBB2_24-.Ltmp7, $1  }
0xa9: {  	_ =	sdelay $0x3  }
0xaa: {  	p0 =	seq.s32 s28, $0x0  }
.Ltmp8:
0xab: {  	_ = 	snop;
	(pc) =	sbr.rel @!p0 .LBB2_6-.Ltmp8, $1  }
0xac: {  	_ =	sdelay $0x3  }
0xad: {  	s23 =	sadd.s32 s1, s5;
	s22 =	sadd.s32 $0x0, s3  }
0xae: {  	[tilespmem:s22], [sflag:$0x1] =	stream.linear.gather [hbm4b:s23+s4], $0x10, $0x38;
	[tilespmem:$0x10700] =	vst v63  }
0xaf: {  	s5 =	sadd.s32 $0x10, s23;
	s6 =	sadd.s32 $0x80, s22  }
0xb0: {  	[tilespmem:s6], [sflag:$0x1] =	stream.linear.gather [hbm4b:s5+s4], $0x10, $0x38;
	[tilespmem:$0x10700] =	vst v63  }
0xb1: {  	s21 =	sadd.s32 $0x100, s22;
	s6 =	sadd.s32 $0x20, s23  }
0xb2: {  	[tilespmem:s21], [sflag:$0x1] =	stream.linear.gather [hbm4b:s6+s4], $0x10, $0x38;
	[tilespmem:$0x10700] =	vst v63  }
0xb3: {  	s6 =	sadd.s32 $0x30, s23;
	s21 =	sadd.s32 $0x180, s22  }
0xb4: {  	[tilespmem:s21], [sflag:$0x1] =	stream.linear.gather [hbm4b:s6+s4], $0x10, $0x38;
	[tilespmem:$0x10700] =	vst v63  }
0xb5: {  	s6 =	sadd.s32 $0x40, s23;
	s21 =	sadd.s32 $0x200, s22  }
0xb6: {  	[tilespmem:s21], [sflag:$0x1] =	stream.linear.gather [hbm4b:s6+s4], $0x10, $0x38;
	[tilespmem:$0x10700] =	vst v63  }
0xb7: {  	s28 =	sadd.s32 $0xF4280, s23;
	s6 =	sadd.s32 $0x50, s23;
	s21 =	sadd.s32 $0x280, s22  }
0xb8: {  	[tilespmem:s21], [sflag:$0x1] =	stream.linear.gather [hbm4b:s6+s4], $0x10, $0x38;
	[tilespmem:$0x10700] =	vst v63  }
0xb9: {  	s5 =	simm.s32 $0x4000;
	s6 =	sadd.s32 $0x60, s23;
	s21 =	sadd.s32 $0x300, s22  }
0xba: {  	[tilespmem:s21], [sflag:$0x1] =	stream.linear.gather [hbm4b:s6+s4], $0x10, $0x38;
	[tilespmem:$0x10700] =	vst v63  }
0xbb: {  	s22 =	sadd.s32 $0x380, s22;
	s6 =	simm.s32 $0x20000;
	s21 =	sadd.s32 $0x70, s23  }
.LBB2_32:
0xbc: {  	[tilespmem:s22], [sflag:$0x1] =	stream.linear.gather [hbm4b:s21+s4], $0x10, $0x38;
	[tilespmem:$0x10700] =	vst v63  }
0xbd: {  	s21 =	smov.u32 s6  }
0xbe: {  	s23 =	sadd.s32 $0x10000, s6;
	s22 =	sadd.s32 s5, s3;
	s5 =	sshra.s32 s21, $0x2  }
0xbf: {  	[tilespmem:s22], [sflag:$0x1] =	stream.linear.gather [hbm4b:s28+s4], $0x10, $0x38;
	[tilespmem:$0x10700] =	vst v63  }
0xc0: {  	p0 =	sne.s32 s6, $0x30000;
	s6 =	sadd.s32 $0x10, s28;
	s21 =	sadd.s32 $0x80, s22  }
0xc1: {  	[tilespmem:s21], [sflag:$0x1] =	stream.linear.gather [hbm4b:s6+s4], $0x10, $0x38;
	[tilespmem:$0x10700] =	vst v63  }
0xc2: {  	s6 =	sadd.s32 $0x20, s28;
	s21 =	sadd.s32 $0x100, s22  }
0xc3: {  	[tilespmem:s21], [sflag:$0x1] =	stream.linear.gather [hbm4b:s6+s4], $0x10, $0x38;
	[tilespmem:$0x10700] =	vst v63  }
0xc4: {  	s6 =	sadd.s32 $0x30, s28;
	s21 =	sadd.s32 $0x180, s22  }
0xc5: {  	[tilespmem:s21], [sflag:$0x1] =	stream.linear.gather [hbm4b:s6+s4], $0x10, $0x38;
	[tilespmem:$0x10700] =	vst v63  }
0xc6: {  	s6 =	sadd.s32 $0x40, s28;
	s21 =	sadd.s32 $0x200, s22  }
0xc7: {  	[tilespmem:s21], [sflag:$0x1] =	stream.linear.gather [hbm4b:s6+s4], $0x10, $0x38;
	[tilespmem:$0x10700] =	vst v63  }
.Ltmp9:
0xc8: {  	s6 =	sadd.s32 $0x50, s28;
	s21 =	sadd.s32 $0x280, s22;
	(pc) =	sbr.rel @p0 .LBB2_32-.Ltmp9, $4  }
0xc9: {  	[tilespmem:s21], [sflag:$0x1] =	stream.linear.gather [hbm4b:s6+s4], $0x10, $0x38;
	[tilespmem:$0x10700] =	vst v63  }
0xca: {  	s6 =	sadd.s32 $0x60, s28;
	s21 =	sadd.s32 $0x300, s22;
	s22 =	sadd.s32 $0x380, s22  }
0xcb: {  	[tilespmem:s21], [sflag:$0x1] =	stream.linear.gather [hbm4b:s6+s4], $0x10, $0x38;
	[tilespmem:$0x10700] =	vst v63  }
0xcc: {  	s21 =	sadd.s32 $0x70, s28;
	s28 =	sadd.s32 $0xF4280, s28;
	s6 =	smov.u32 s23  }
0xcd: {  	[tilespmem:s22], [sflag:$0x1] =	stream.linear.gather [hbm4b:s21+s4], $0x10, $0x38;
	[tilespmem:$0x10700] =	vst v63  }
0xce: {  	s5 =	sadd.s32 s5, s3  }
0xcf: {  	[tilespmem:s5], [sflag:$0x1] =	stream.linear.gather [hbm4b:s28+s4], $0x10, $0x38;
	[tilespmem:$0x10700] =	vst v63  }
0xd0: {  	s6 =	sadd.s32 $0x10, s28;
	s23 =	sadd.s32 $0x80, s5  }
0xd1: {  	[tilespmem:s23], [sflag:$0x1] =	stream.linear.gather [hbm4b:s6+s4], $0x10, $0x38;
	[tilespmem:$0x10700] =	vst v63  }
0xd2: {  	s22 =	sadd.s32 $0x20, s28;
	s23 =	sadd.s32 $0x100, s5  }
0xd3: {  	[tilespmem:s23], [sflag:$0x1] =	stream.linear.gather [hbm4b:s22+s4], $0x10, $0x38;
	[tilespmem:$0x10700] =	vst v63  }
0xd4: {  	s22 =	sadd.s32 $0x30, s28;
	s23 =	sadd.s32 $0x180, s5  }
0xd5: {  	[tilespmem:s23], [sflag:$0x1] =	stream.linear.gather [hbm4b:s22+s4], $0x10, $0x38;
	[tilespmem:$0x10700] =	vst v63  }
0xd6: {  	s22 =	sadd.s32 $0x40, s28;
	s23 =	sadd.s32 $0x200, s5  }
0xd7: {  	[tilespmem:s23], [sflag:$0x1] =	stream.linear.gather [hbm4b:s22+s4], $0x10, $0x38;
	[tilespmem:$0x10700] =	vst v63  }
0xd8: {  	s22 =	sadd.s32 $0x50, s28;
	s23 =	sadd.s32 $0x280, s5  }
0xd9: {  	[tilespmem:s23], [sflag:$0x1] =	stream.linear.gather [hbm4b:s22+s4], $0x10, $0x38;
	[tilespmem:$0x10700] =	vst v63  }
.Ltmp10:
0xda: {  	_ = 	snop;
	(pc) =	sbr.rel .LBB2_34-.Ltmp10, $4  }
0xdb: {  	s22 =	sadd.s32 $0x60, s28;
	s23 =	sadd.s32 $0x300, s5  }
0xdc: {  	[tilespmem:s23], [sflag:$0x1] =	stream.linear.gather [hbm4b:s22+s4], $0x10, $0x38;
	[tilespmem:$0x10700] =	vst v63  }
0xdd: {  	s28 =	sadd.s32 $0x70, s28;
	s5 =	sadd.s32 $0x380, s5  }
0xde: {  	[tilespmem:s5], [sflag:$0x1] =	stream.linear.gather [hbm4b:s28+s4], $0x10, $0x38;
	[tilespmem:$0x10700] =	vst v63  }
.LBB2_9:
0xdf: {  	p0 =	sgt.s32 s28, $0x5  }
.Ltmp11:
0xe0: {  	_ = 	snop;
	(pc) =	sbr.rel @p0 .LBB2_14-.Ltmp11, $1  }
0xe1: {  	_ =	sdelay $0x3  }
0xe2: {  	p0 =	seq.s32 s28, $0x4  }
.Ltmp12:
0xe3: {  	_ = 	snop;
	(pc) =	sbr.rel @!p0 .LBB2_11-.Ltmp12, $1  }
0xe4: {  	_ =	sdelay $0x3  }
0xe5: {  	s23 =	sadd.s32 s5, s10;
	s22 =	sadd.s32 $0x0, s3  }
0xe6: {  	[tilespmem:s22], [sflag:$0x1] =	stream.linear.gather [hbm4b:s23+s4], $0x10, $0x38;
	[tilespmem:$0x10700] =	vst v63  }
0xe7: {  	s5 =	sadd.s32 $0x10, s23;
	s6 =	sadd.s32 $0x80, s22  }
0xe8: {  	[tilespmem:s6], [sflag:$0x1] =	stream.linear.gather [hbm4b:s5+s4], $0x10, $0x38;
	[tilespmem:$0x10700] =	vst v63  }
0xe9: {  	s21 =	sadd.s32 $0x100, s22;
	s6 =	sadd.s32 $0x20, s23  }
0xea: {  	[tilespmem:s21], [sflag:$0x1] =	stream.linear.gather [hbm4b:s6+s4], $0x10, $0x38;
	[tilespmem:$0x10700] =	vst v63  }
0xeb: {  	s6 =	sadd.s32 $0x30, s23;
	s21 =	sadd.s32 $0x180, s22  }
0xec: {  	[tilespmem:s21], [sflag:$0x1] =	stream.linear.gather [hbm4b:s6+s4], $0x10, $0x38;
	[tilespmem:$0x10700] =	vst v63  }
0xed: {  	s6 =	sadd.s32 $0x40, s23;
	s21 =	sadd.s32 $0x200, s22  }
0xee: {  	[tilespmem:s21], [sflag:$0x1] =	stream.linear.gather [hbm4b:s6+s4], $0x10, $0x38;
	[tilespmem:$0x10700] =	vst v63  }
0xef: {  	s28 =	sadd.s32 $0xF4280, s23;
	s6 =	sadd.s32 $0x50, s23;
	s21 =	sadd.s32 $0x280, s22  }
0xf0: {  	[tilespmem:s21], [sflag:$0x1] =	stream.linear.gather [hbm4b:s6+s4], $0x10, $0x38;
	[tilespmem:$0x10700] =	vst v63  }
0xf1: {  	s5 =	simm.s32 $0x4000;
	s6 =	sadd.s32 $0x60, s23;
	s21 =	sadd.s32 $0x300, s22  }
0xf2: {  	[tilespmem:s21], [sflag:$0x1] =	stream.linear.gather [hbm4b:s6+s4], $0x10, $0x38;
	[tilespmem:$0x10700] =	vst v63  }
0xf3: {  	s22 =	sadd.s32 $0x380, s22;
	s6 =	simm.s32 $0x20000;
	s21 =	sadd.s32 $0x70, s23  }
.LBB2_22:
0xf4: {  	[tilespmem:s22], [sflag:$0x1] =	stream.linear.gather [hbm4b:s21+s4], $0x10, $0x38;
	[tilespmem:$0x10700] =	vst v63  }
0xf5: {  	s21 =	smov.u32 s6  }
0xf6: {  	s23 =	sadd.s32 $0x10000, s6;
	s22 =	sadd.s32 s5, s3;
	s5 =	sshra.s32 s21, $0x2  }
0xf7: {  	[tilespmem:s22], [sflag:$0x1] =	stream.linear.gather [hbm4b:s28+s4], $0x10, $0x38;
	[tilespmem:$0x10700] =	vst v63  }
0xf8: {  	p0 =	seq.s32 s6, $0x30000;
	s6 =	sadd.s32 $0x10, s28;
	s21 =	sadd.s32 $0x80, s22  }
0xf9: {  	[tilespmem:s21], [sflag:$0x1] =	stream.linear.gather [hbm4b:s6+s4], $0x10, $0x38;
	[tilespmem:$0x10700] =	vst v63  }
0xfa: {  	s6 =	sadd.s32 $0x20, s28;
	s21 =	sadd.s32 $0x100, s22  }
0xfb: {  	[tilespmem:s21], [sflag:$0x1] =	stream.linear.gather [hbm4b:s6+s4], $0x10, $0x38;
	[tilespmem:$0x10700] =	vst v63  }
0xfc: {  	s6 =	sadd.s32 $0x30, s28;
	s21 =	sadd.s32 $0x180, s22  }
0xfd: {  	[tilespmem:s21], [sflag:$0x1] =	stream.linear.gather [hbm4b:s6+s4], $0x10, $0x38;
	[tilespmem:$0x10700] =	vst v63  }
0xfe: {  	s6 =	sadd.s32 $0x40, s28;
	s21 =	sadd.s32 $0x200, s22  }
0xff: {  	[tilespmem:s21], [sflag:$0x1] =	stream.linear.gather [hbm4b:s6+s4], $0x10, $0x38;
	[tilespmem:$0x10700] =	vst v63  }
.Ltmp13:
0x100: {  	s6 =	sadd.s32 $0x50, s28;
	s21 =	sadd.s32 $0x280, s22;
	(pc) =	sbr.rel @!p0 .LBB2_22-.Ltmp13, $4  }
0x101: {  	[tilespmem:s21], [sflag:$0x1] =	stream.linear.gather [hbm4b:s6+s4], $0x10, $0x38;
	[tilespmem:$0x10700] =	vst v63  }
0x102: {  	s6 =	sadd.s32 $0x60, s28;
	s21 =	sadd.s32 $0x300, s22;
	s22 =	sadd.s32 $0x380, s22  }
0x103: {  	[tilespmem:s21], [sflag:$0x1] =	stream.linear.gather [hbm4b:s6+s4], $0x10, $0x38;
	[tilespmem:$0x10700] =	vst v63  }
0x104: {  	s21 =	sadd.s32 $0x70, s28;
	s28 =	sadd.s32 $0xF4280, s28;
	s6 =	smov.u32 s23  }
0x105: {  	[tilespmem:s22], [sflag:$0x1] =	stream.linear.gather [hbm4b:s21+s4], $0x10, $0x38;
	[tilespmem:$0x10700] =	vst v63  }
0x106: {  	s5 =	sadd.s32 s5, s3  }
0x107: {  	[tilespmem:s5], [sflag:$0x1] =	stream.linear.gather [hbm4b:s28+s4], $0x10, $0x38;
	[tilespmem:$0x10700] =	vst v63  }
0x108: {  	s6 =	sadd.s32 $0x10, s28;
	s23 =	sadd.s32 $0x80, s5  }
0x109: {  	[tilespmem:s23], [sflag:$0x1] =	stream.linear.gather [hbm4b:s6+s4], $0x10, $0x38;
	[tilespmem:$0x10700] =	vst v63  }
0x10a: {  	s22 =	sadd.s32 $0x20, s28;
	s23 =	sadd.s32 $0x100, s5  }
0x10b: {  	[tilespmem:s23], [sflag:$0x1] =	stream.linear.gather [hbm4b:s22+s4], $0x10, $0x38;
	[tilespmem:$0x10700] =	vst v63  }
0x10c: {  	s22 =	sadd.s32 $0x30, s28;
	s23 =	sadd.s32 $0x180, s5  }
0x10d: {  	[tilespmem:s23], [sflag:$0x1] =	stream.linear.gather [hbm4b:s22+s4], $0x10, $0x38;
	[tilespmem:$0x10700] =	vst v63  }
0x10e: {  	s22 =	sadd.s32 $0x40, s28;
	s23 =	sadd.s32 $0x200, s5  }
0x10f: {  	[tilespmem:s23], [sflag:$0x1] =	stream.linear.gather [hbm4b:s22+s4], $0x10, $0x38;
	[tilespmem:$0x10700] =	vst v63  }
0x110: {  	s22 =	sadd.s32 $0x50, s28;
	s23 =	sadd.s32 $0x280, s5  }
0x111: {  	[tilespmem:s23], [sflag:$0x1] =	stream.linear.gather [hbm4b:s22+s4], $0x10, $0x38;
	[tilespmem:$0x10700] =	vst v63  }
.Ltmp14:
0x112: {  	_ = 	snop;
	(pc) =	sbr.rel .LBB2_34-.Ltmp14, $4  }
0x113: {  	s22 =	sadd.s32 $0x60, s28;
	s23 =	sadd.s32 $0x300, s5  }
0x114: {  	[tilespmem:s23], [sflag:$0x1] =	stream.linear.gather [hbm4b:s22+s4], $0x10, $0x38;
	[tilespmem:$0x10700] =	vst v63  }
0x115: {  	s28 =	sadd.s32 $0x70, s28;
	s5 =	sadd.s32 $0x380, s5  }
0x116: {  	[tilespmem:s5], [sflag:$0x1] =	stream.linear.gather [hbm4b:s28+s4], $0x10, $0x38;
	[tilespmem:$0x10700] =	vst v63  }
.LBB2_24:
0x117: {  	p0 =	seq.s32 s28, $0x2  }
.Ltmp15:
0x118: {  	_ = 	snop;
	(pc) =	sbr.rel @!p0 .LBB2_25-.Ltmp15, $1  }
0x119: {  	_ =	sdelay $0x3  }
0x11a: {  	s23 =	sadd.s32 s5, s12;
	s22 =	sadd.s32 $0x0, s3  }
0x11b: {  	[tilespmem:s22], [sflag:$0x1] =	stream.linear.gather [hbm4b:s23+s4], $0x10, $0x38;
	[tilespmem:$0x10700] =	vst v63  }
0x11c: {  	s5 =	sadd.s32 $0x10, s23;
	s6 =	sadd.s32 $0x80, s22  }
0x11d: {  	[tilespmem:s6], [sflag:$0x1] =	stream.linear.gather [hbm4b:s5+s4], $0x10, $0x38;
	[tilespmem:$0x10700] =	vst v63  }
0x11e: {  	s21 =	sadd.s32 $0x100, s22;
	s6 =	sadd.s32 $0x20, s23  }
0x11f: {  	[tilespmem:s21], [sflag:$0x1] =	stream.linear.gather [hbm4b:s6+s4], $0x10, $0x38;
	[tilespmem:$0x10700] =	vst v63  }
0x120: {  	s6 =	sadd.s32 $0x30, s23;
	s21 =	sadd.s32 $0x180, s22  }
0x121: {  	[tilespmem:s21], [sflag:$0x1] =	stream.linear.gather [hbm4b:s6+s4], $0x10, $0x38;
	[tilespmem:$0x10700] =	vst v63  }
0x122: {  	s6 =	sadd.s32 $0x40, s23;
	s21 =	sadd.s32 $0x200, s22  }
0x123: {  	[tilespmem:s21], [sflag:$0x1] =	stream.linear.gather [hbm4b:s6+s4], $0x10, $0x38;
	[tilespmem:$0x10700] =	vst v63  }
0x124: {  	s28 =	sadd.s32 $0xF4280, s23;
	s6 =	sadd.s32 $0x50, s23;
	s21 =	sadd.s32 $0x280, s22  }
0x125: {  	[tilespmem:s21], [sflag:$0x1] =	stream.linear.gather [hbm4b:s6+s4], $0x10, $0x38;
	[tilespmem:$0x10700] =	vst v63  }
0x126: {  	s5 =	simm.s32 $0x4000;
	s6 =	sadd.s32 $0x60, s23;
	s21 =	sadd.s32 $0x300, s22  }
0x127: {  	[tilespmem:s21], [sflag:$0x1] =	stream.linear.gather [hbm4b:s6+s4], $0x10, $0x38;
	[tilespmem:$0x10700] =	vst v63  }
0x128: {  	s22 =	sadd.s32 $0x380, s22;
	s6 =	simm.s32 $0x20000;
	s21 =	sadd.s32 $0x70, s23  }
.LBB2_29:
0x129: {  	[tilespmem:s22], [sflag:$0x1] =	stream.linear.gather [hbm4b:s21+s4], $0x10, $0x38;
	[tilespmem:$0x10700] =	vst v63  }
0x12a: {  	s21 =	smov.u32 s6  }
0x12b: {  	s23 =	sadd.s32 $0x10000, s6;
	s22 =	sadd.s32 s5, s3;
	s5 =	sshra.s32 s21, $0x2  }
0x12c: {  	[tilespmem:s22], [sflag:$0x1] =	stream.linear.gather [hbm4b:s28+s4], $0x10, $0x38;
	[tilespmem:$0x10700] =	vst v63  }
0x12d: {  	p0 =	seq.s32 s6, $0x30000;
	s6 =	sadd.s32 $0x10, s28;
	s21 =	sadd.s32 $0x80, s22  }
0x12e: {  	[tilespmem:s21], [sflag:$0x1] =	stream.linear.gather [hbm4b:s6+s4], $0x10, $0x38;
	[tilespmem:$0x10700] =	vst v63  }
0x12f: {  	s6 =	sadd.s32 $0x20, s28;
	s21 =	sadd.s32 $0x100, s22  }
0x130: {  	[tilespmem:s21], [sflag:$0x1] =	stream.linear.gather [hbm4b:s6+s4], $0x10, $0x38;
	[tilespmem:$0x10700] =	vst v63  }
0x131: {  	s6 =	sadd.s32 $0x30, s28;
	s21 =	sadd.s32 $0x180, s22  }
0x132: {  	[tilespmem:s21], [sflag:$0x1] =	stream.linear.gather [hbm4b:s6+s4], $0x10, $0x38;
	[tilespmem:$0x10700] =	vst v63  }
0x133: {  	s6 =	sadd.s32 $0x40, s28;
	s21 =	sadd.s32 $0x200, s22  }
0x134: {  	[tilespmem:s21], [sflag:$0x1] =	stream.linear.gather [hbm4b:s6+s4], $0x10, $0x38;
	[tilespmem:$0x10700] =	vst v63  }
.Ltmp16:
0x135: {  	s6 =	sadd.s32 $0x50, s28;
	s21 =	sadd.s32 $0x280, s22;
	(pc) =	sbr.rel @!p0 .LBB2_29-.Ltmp16, $4  }
0x136: {  	[tilespmem:s21], [sflag:$0x1] =	stream.linear.gather [hbm4b:s6+s4], $0x10, $0x38;
	[tilespmem:$0x10700] =	vst v63  }
0x137: {  	s6 =	sadd.s32 $0x60, s28;
	s21 =	sadd.s32 $0x300, s22;
	s22 =	sadd.s32 $0x380, s22  }
0x138: {  	[tilespmem:s21], [sflag:$0x1] =	stream.linear.gather [hbm4b:s6+s4], $0x10, $0x38;
	[tilespmem:$0x10700] =	vst v63  }
0x139: {  	s21 =	sadd.s32 $0x70, s28;
	s28 =	sadd.s32 $0xF4280, s28;
	s6 =	smov.u32 s23  }
0x13a: {  	[tilespmem:s22], [sflag:$0x1] =	stream.linear.gather [hbm4b:s21+s4], $0x10, $0x38;
	[tilespmem:$0x10700] =	vst v63  }
0x13b: {  	s5 =	sadd.s32 s5, s3  }
0x13c: {  	[tilespmem:s5], [sflag:$0x1] =	stream.linear.gather [hbm4b:s28+s4], $0x10, $0x38;
	[tilespmem:$0x10700] =	vst v63  }
0x13d: {  	s6 =	sadd.s32 $0x10, s28;
	s23 =	sadd.s32 $0x80, s5  }
0x13e: {  	[tilespmem:s23], [sflag:$0x1] =	stream.linear.gather [hbm4b:s6+s4], $0x10, $0x38;
	[tilespmem:$0x10700] =	vst v63  }
0x13f: {  	s22 =	sadd.s32 $0x20, s28;
	s23 =	sadd.s32 $0x100, s5  }
0x140: {  	[tilespmem:s23], [sflag:$0x1] =	stream.linear.gather [hbm4b:s22+s4], $0x10, $0x38;
	[tilespmem:$0x10700] =	vst v63  }
0x141: {  	s22 =	sadd.s32 $0x30, s28;
	s23 =	sadd.s32 $0x180, s5  }
0x142: {  	[tilespmem:s23], [sflag:$0x1] =	stream.linear.gather [hbm4b:s22+s4], $0x10, $0x38;
	[tilespmem:$0x10700] =	vst v63  }
0x143: {  	s22 =	sadd.s32 $0x40, s28;
	s23 =	sadd.s32 $0x200, s5  }
0x144: {  	[tilespmem:s23], [sflag:$0x1] =	stream.linear.gather [hbm4b:s22+s4], $0x10, $0x38;
	[tilespmem:$0x10700] =	vst v63  }
0x145: {  	s22 =	sadd.s32 $0x50, s28;
	s23 =	sadd.s32 $0x280, s5  }
0x146: {  	[tilespmem:s23], [sflag:$0x1] =	stream.linear.gather [hbm4b:s22+s4], $0x10, $0x38;
	[tilespmem:$0x10700] =	vst v63  }
.Ltmp17:
0x147: {  	_ = 	snop;
	(pc) =	sbr.rel .LBB2_34-.Ltmp17, $4  }
0x148: {  	s22 =	sadd.s32 $0x60, s28;
	s23 =	sadd.s32 $0x300, s5  }
0x149: {  	[tilespmem:s23], [sflag:$0x1] =	stream.linear.gather [hbm4b:s22+s4], $0x10, $0x38;
	[tilespmem:$0x10700] =	vst v63  }
0x14a: {  	s28 =	sadd.s32 $0x70, s28;
	s5 =	sadd.s32 $0x380, s5  }
0x14b: {  	[tilespmem:s5], [sflag:$0x1] =	stream.linear.gather [hbm4b:s28+s4], $0x10, $0x38;
	[tilespmem:$0x10700] =	vst v63  }
.LBB2_14:
0x14c: {  	p0 =	seq.s32 s28, $0x6  }
.Ltmp18:
0x14d: {  	_ = 	snop;
	(pc) =	sbr.rel @!p0 .LBB2_15-.Ltmp18, $1  }
0x14e: {  	_ =	sdelay $0x3  }
0x14f: {  	s23 =	sadd.s32 s5, s8;
	s22 =	sadd.s32 $0x0, s3  }
0x150: {  	[tilespmem:s22], [sflag:$0x1] =	stream.linear.gather [hbm4b:s23+s4], $0x10, $0x38;
	[tilespmem:$0x10700] =	vst v63  }
0x151: {  	s5 =	sadd.s32 $0x10, s23;
	s6 =	sadd.s32 $0x80, s22  }
0x152: {  	[tilespmem:s6], [sflag:$0x1] =	stream.linear.gather [hbm4b:s5+s4], $0x10, $0x38;
	[tilespmem:$0x10700] =	vst v63  }
0x153: {  	s21 =	sadd.s32 $0x100, s22;
	s6 =	sadd.s32 $0x20, s23  }
0x154: {  	[tilespmem:s21], [sflag:$0x1] =	stream.linear.gather [hbm4b:s6+s4], $0x10, $0x38;
	[tilespmem:$0x10700] =	vst v63  }
0x155: {  	s6 =	sadd.s32 $0x30, s23;
	s21 =	sadd.s32 $0x180, s22  }
0x156: {  	[tilespmem:s21], [sflag:$0x1] =	stream.linear.gather [hbm4b:s6+s4], $0x10, $0x38;
	[tilespmem:$0x10700] =	vst v63  }
0x157: {  	s6 =	sadd.s32 $0x40, s23;
	s21 =	sadd.s32 $0x200, s22  }
0x158: {  	[tilespmem:s21], [sflag:$0x1] =	stream.linear.gather [hbm4b:s6+s4], $0x10, $0x38;
	[tilespmem:$0x10700] =	vst v63  }
0x159: {  	s28 =	sadd.s32 $0xF4280, s23;
	s6 =	sadd.s32 $0x50, s23;
	s21 =	sadd.s32 $0x280, s22  }
0x15a: {  	[tilespmem:s21], [sflag:$0x1] =	stream.linear.gather [hbm4b:s6+s4], $0x10, $0x38;
	[tilespmem:$0x10700] =	vst v63  }
0x15b: {  	s5 =	simm.s32 $0x4000;
	s6 =	sadd.s32 $0x60, s23;
	s21 =	sadd.s32 $0x300, s22  }
0x15c: {  	[tilespmem:s21], [sflag:$0x1] =	stream.linear.gather [hbm4b:s6+s4], $0x10, $0x38;
	[tilespmem:$0x10700] =	vst v63  }
0x15d: {  	s22 =	sadd.s32 $0x380, s22;
	s6 =	simm.s32 $0x20000;
	s21 =	sadd.s32 $0x70, s23  }
.LBB2_19:
0x15e: {  	[tilespmem:s22], [sflag:$0x1] =	stream.linear.gather [hbm4b:s21+s4], $0x10, $0x38;
	[tilespmem:$0x10700] =	vst v63  }
0x15f: {  	s21 =	smov.u32 s6  }
0x160: {  	s23 =	sadd.s32 $0x10000, s6;
	s22 =	sadd.s32 s5, s3;
	s5 =	sshra.s32 s21, $0x2  }
0x161: {  	[tilespmem:s22], [sflag:$0x1] =	stream.linear.gather [hbm4b:s28+s4], $0x10, $0x38;
	[tilespmem:$0x10700] =	vst v63  }
0x162: {  	p0 =	seq.s32 s6, $0x30000;
	s6 =	sadd.s32 $0x10, s28;
	s21 =	sadd.s32 $0x80, s22  }
0x163: {  	[tilespmem:s21], [sflag:$0x1] =	stream.linear.gather [hbm4b:s6+s4], $0x10, $0x38;
	[tilespmem:$0x10700] =	vst v63  }
0x164: {  	s6 =	sadd.s32 $0x20, s28;
	s21 =	sadd.s32 $0x100, s22  }
0x165: {  	[tilespmem:s21], [sflag:$0x1] =	stream.linear.gather [hbm4b:s6+s4], $0x10, $0x38;
	[tilespmem:$0x10700] =	vst v63  }
0x166: {  	s6 =	sadd.s32 $0x30, s28;
	s21 =	sadd.s32 $0x180, s22  }
0x167: {  	[tilespmem:s21], [sflag:$0x1] =	stream.linear.gather [hbm4b:s6+s4], $0x10, $0x38;
	[tilespmem:$0x10700] =	vst v63  }
0x168: {  	s6 =	sadd.s32 $0x40, s28;
	s21 =	sadd.s32 $0x200, s22  }
0x169: {  	[tilespmem:s21], [sflag:$0x1] =	stream.linear.gather [hbm4b:s6+s4], $0x10, $0x38;
	[tilespmem:$0x10700] =	vst v63  }
.Ltmp19:
0x16a: {  	s6 =	sadd.s32 $0x50, s28;
	s21 =	sadd.s32 $0x280, s22;
	(pc) =	sbr.rel @!p0 .LBB2_19-.Ltmp19, $4  }
0x16b: {  	[tilespmem:s21], [sflag:$0x1] =	stream.linear.gather [hbm4b:s6+s4], $0x10, $0x38;
	[tilespmem:$0x10700] =	vst v63  }
0x16c: {  	s6 =	sadd.s32 $0x60, s28;
	s21 =	sadd.s32 $0x300, s22;
	s22 =	sadd.s32 $0x380, s22  }
0x16d: {  	[tilespmem:s21], [sflag:$0x1] =	stream.linear.gather [hbm4b:s6+s4], $0x10, $0x38;
	[tilespmem:$0x10700] =	vst v63  }
0x16e: {  	s21 =	sadd.s32 $0x70, s28;
	s28 =	sadd.s32 $0xF4280, s28;
	s6 =	smov.u32 s23  }
0x16f: {  	[tilespmem:s22], [sflag:$0x1] =	stream.linear.gather [hbm4b:s21+s4], $0x10, $0x38;
	[tilespmem:$0x10700] =	vst v63  }
0x170: {  	s5 =	sadd.s32 s5, s3  }
0x171: {  	[tilespmem:s5], [sflag:$0x1] =	stream.linear.gather [hbm4b:s28+s4], $0x10, $0x38;
	[tilespmem:$0x10700] =	vst v63  }
0x172: {  	s6 =	sadd.s32 $0x10, s28;
	s23 =	sadd.s32 $0x80, s5  }
0x173: {  	[tilespmem:s23], [sflag:$0x1] =	stream.linear.gather [hbm4b:s6+s4], $0x10, $0x38;
	[tilespmem:$0x10700] =	vst v63  }
0x174: {  	s22 =	sadd.s32 $0x20, s28;
	s23 =	sadd.s32 $0x100, s5  }
0x175: {  	[tilespmem:s23], [sflag:$0x1] =	stream.linear.gather [hbm4b:s22+s4], $0x10, $0x38;
	[tilespmem:$0x10700] =	vst v63  }
0x176: {  	s22 =	sadd.s32 $0x30, s28;
	s23 =	sadd.s32 $0x180, s5  }
0x177: {  	[tilespmem:s23], [sflag:$0x1] =	stream.linear.gather [hbm4b:s22+s4], $0x10, $0x38;
	[tilespmem:$0x10700] =	vst v63  }
0x178: {  	s22 =	sadd.s32 $0x40, s28;
	s23 =	sadd.s32 $0x200, s5  }
0x179: {  	[tilespmem:s23], [sflag:$0x1] =	stream.linear.gather [hbm4b:s22+s4], $0x10, $0x38;
	[tilespmem:$0x10700] =	vst v63  }
0x17a: {  	s22 =	sadd.s32 $0x50, s28;
	s23 =	sadd.s32 $0x280, s5  }
0x17b: {  	[tilespmem:s23], [sflag:$0x1] =	stream.linear.gather [hbm4b:s22+s4], $0x10, $0x38;
	[tilespmem:$0x10700] =	vst v63  }
.Ltmp20:
0x17c: {  	_ = 	snop;
	(pc) =	sbr.rel .LBB2_34-.Ltmp20, $4  }
0x17d: {  	s22 =	sadd.s32 $0x60, s28;
	s23 =	sadd.s32 $0x300, s5  }
0x17e: {  	[tilespmem:s23], [sflag:$0x1] =	stream.linear.gather [hbm4b:s22+s4], $0x10, $0x38;
	[tilespmem:$0x10700] =	vst v63  }
0x17f: {  	s28 =	sadd.s32 $0x70, s28;
	s5 =	sadd.s32 $0x380, s5  }
0x180: {  	[tilespmem:s5], [sflag:$0x1] =	stream.linear.gather [hbm4b:s28+s4], $0x10, $0x38;
	[tilespmem:$0x10700] =	vst v63  }
.LBB2_6:
0x181: {  	s23 =	sadd.s32 s5, s13;
	s22 =	sadd.s32 $0x0, s3  }
0x182: {  	[tilespmem:s22], [sflag:$0x1] =	stream.linear.gather [hbm4b:s23+s4], $0x10, $0x38;
	[tilespmem:$0x10700] =	vst v63  }
0x183: {  	s5 =	sadd.s32 $0x10, s23;
	s6 =	sadd.s32 $0x80, s22  }
0x184: {  	[tilespmem:s6], [sflag:$0x1] =	stream.linear.gather [hbm4b:s5+s4], $0x10, $0x38;
	[tilespmem:$0x10700] =	vst v63  }
0x185: {  	s21 =	sadd.s32 $0x100, s22;
	s6 =	sadd.s32 $0x20, s23  }
0x186: {  	[tilespmem:s21], [sflag:$0x1] =	stream.linear.gather [hbm4b:s6+s4], $0x10, $0x38;
	[tilespmem:$0x10700] =	vst v63  }
0x187: {  	s6 =	sadd.s32 $0x30, s23;
	s21 =	sadd.s32 $0x180, s22  }
0x188: {  	[tilespmem:s21], [sflag:$0x1] =	stream.linear.gather [hbm4b:s6+s4], $0x10, $0x38;
	[tilespmem:$0x10700] =	vst v63  }
0x189: {  	s6 =	sadd.s32 $0x40, s23;
	s21 =	sadd.s32 $0x200, s22  }
0x18a: {  	[tilespmem:s21], [sflag:$0x1] =	stream.linear.gather [hbm4b:s6+s4], $0x10, $0x38;
	[tilespmem:$0x10700] =	vst v63  }
0x18b: {  	s28 =	sadd.s32 $0xF4280, s23;
	s6 =	sadd.s32 $0x50, s23;
	s21 =	sadd.s32 $0x280, s22  }
0x18c: {  	[tilespmem:s21], [sflag:$0x1] =	stream.linear.gather [hbm4b:s6+s4], $0x10, $0x38;
	[tilespmem:$0x10700] =	vst v63  }
0x18d: {  	s5 =	simm.s32 $0x4000;
	s6 =	sadd.s32 $0x60, s23;
	s21 =	sadd.s32 $0x300, s22  }
0x18e: {  	[tilespmem:s21], [sflag:$0x1] =	stream.linear.gather [hbm4b:s6+s4], $0x10, $0x38;
	[tilespmem:$0x10700] =	vst v63  }
0x18f: {  	s22 =	sadd.s32 $0x380, s22;
	s6 =	simm.s32 $0x20000;
	s21 =	sadd.s32 $0x70, s23  }
.LBB2_7:
0x190: {  	[tilespmem:s22], [sflag:$0x1] =	stream.linear.gather [hbm4b:s21+s4], $0x10, $0x38;
	[tilespmem:$0x10700] =	vst v63  }
0x191: {  	s21 =	smov.u32 s6  }
0x192: {  	s23 =	sadd.s32 $0x10000, s6;
	s22 =	sadd.s32 s5, s3;
	s5 =	sshra.s32 s21, $0x2  }
0x193: {  	[tilespmem:s22], [sflag:$0x1] =	stream.linear.gather [hbm4b:s28+s4], $0x10, $0x38;
	[tilespmem:$0x10700] =	vst v63  }
0x194: {  	p0 =	seq.s32 s6, $0x30000;
	s6 =	sadd.s32 $0x10, s28;
	s21 =	sadd.s32 $0x80, s22  }
0x195: {  	[tilespmem:s21], [sflag:$0x1] =	stream.linear.gather [hbm4b:s6+s4], $0x10, $0x38;
	[tilespmem:$0x10700] =	vst v63  }
0x196: {  	s6 =	sadd.s32 $0x20, s28;
	s21 =	sadd.s32 $0x100, s22  }
0x197: {  	[tilespmem:s21], [sflag:$0x1] =	stream.linear.gather [hbm4b:s6+s4], $0x10, $0x38;
	[tilespmem:$0x10700] =	vst v63  }
0x198: {  	s6 =	sadd.s32 $0x30, s28;
	s21 =	sadd.s32 $0x180, s22  }
0x199: {  	[tilespmem:s21], [sflag:$0x1] =	stream.linear.gather [hbm4b:s6+s4], $0x10, $0x38;
	[tilespmem:$0x10700] =	vst v63  }
0x19a: {  	s6 =	sadd.s32 $0x40, s28;
	s21 =	sadd.s32 $0x200, s22  }
0x19b: {  	[tilespmem:s21], [sflag:$0x1] =	stream.linear.gather [hbm4b:s6+s4], $0x10, $0x38;
	[tilespmem:$0x10700] =	vst v63  }
.Ltmp21:
0x19c: {  	s6 =	sadd.s32 $0x50, s28;
	s21 =	sadd.s32 $0x280, s22;
	(pc) =	sbr.rel @!p0 .LBB2_7-.Ltmp21, $4  }
0x19d: {  	[tilespmem:s21], [sflag:$0x1] =	stream.linear.gather [hbm4b:s6+s4], $0x10, $0x38;
	[tilespmem:$0x10700] =	vst v63  }
0x19e: {  	s6 =	sadd.s32 $0x60, s28;
	s21 =	sadd.s32 $0x300, s22;
	s22 =	sadd.s32 $0x380, s22  }
0x19f: {  	[tilespmem:s21], [sflag:$0x1] =	stream.linear.gather [hbm4b:s6+s4], $0x10, $0x38;
	[tilespmem:$0x10700] =	vst v63  }
0x1a0: {  	s21 =	sadd.s32 $0x70, s28;
	s28 =	sadd.s32 $0xF4280, s28;
	s6 =	smov.u32 s23  }
0x1a1: {  	[tilespmem:s22], [sflag:$0x1] =	stream.linear.gather [hbm4b:s21+s4], $0x10, $0x38;
	[tilespmem:$0x10700] =	vst v63  }
0x1a2: {  	s5 =	sadd.s32 s5, s3  }
0x1a3: {  	[tilespmem:s5], [sflag:$0x1] =	stream.linear.gather [hbm4b:s28+s4], $0x10, $0x38;
	[tilespmem:$0x10700] =	vst v63  }
0x1a4: {  	s6 =	sadd.s32 $0x10, s28;
	s23 =	sadd.s32 $0x80, s5  }
0x1a5: {  	[tilespmem:s23], [sflag:$0x1] =	stream.linear.gather [hbm4b:s6+s4], $0x10, $0x38;
	[tilespmem:$0x10700] =	vst v63  }
0x1a6: {  	s22 =	sadd.s32 $0x20, s28;
	s23 =	sadd.s32 $0x100, s5  }
0x1a7: {  	[tilespmem:s23], [sflag:$0x1] =	stream.linear.gather [hbm4b:s22+s4], $0x10, $0x38;
	[tilespmem:$0x10700] =	vst v63  }
0x1a8: {  	s22 =	sadd.s32 $0x30, s28;
	s23 =	sadd.s32 $0x180, s5  }
0x1a9: {  	[tilespmem:s23], [sflag:$0x1] =	stream.linear.gather [hbm4b:s22+s4], $0x10, $0x38;
	[tilespmem:$0x10700] =	vst v63  }
0x1aa: {  	s22 =	sadd.s32 $0x40, s28;
	s23 =	sadd.s32 $0x200, s5  }
0x1ab: {  	[tilespmem:s23], [sflag:$0x1] =	stream.linear.gather [hbm4b:s22+s4], $0x10, $0x38;
	[tilespmem:$0x10700] =	vst v63  }
0x1ac: {  	s22 =	sadd.s32 $0x50, s28;
	s23 =	sadd.s32 $0x280, s5  }
0x1ad: {  	[tilespmem:s23], [sflag:$0x1] =	stream.linear.gather [hbm4b:s22+s4], $0x10, $0x38;
	[tilespmem:$0x10700] =	vst v63  }
.Ltmp22:
0x1ae: {  	_ = 	snop;
	(pc) =	sbr.rel .LBB2_34-.Ltmp22, $4  }
0x1af: {  	s22 =	sadd.s32 $0x60, s28;
	s23 =	sadd.s32 $0x300, s5  }
0x1b0: {  	[tilespmem:s23], [sflag:$0x1] =	stream.linear.gather [hbm4b:s22+s4], $0x10, $0x38;
	[tilespmem:$0x10700] =	vst v63  }
0x1b1: {  	s28 =	sadd.s32 $0x70, s28;
	s5 =	sadd.s32 $0x380, s5  }
0x1b2: {  	[tilespmem:s5], [sflag:$0x1] =	stream.linear.gather [hbm4b:s28+s4], $0x10, $0x38;
	[tilespmem:$0x10700] =	vst v63  }
.LBB2_11:
0x1b3: {  	s23 =	sadd.s32 s5, s9;
	s22 =	sadd.s32 $0x0, s3  }
0x1b4: {  	[tilespmem:s22], [sflag:$0x1] =	stream.linear.gather [hbm4b:s23+s4], $0x10, $0x38;
	[tilespmem:$0x10700] =	vst v63  }
0x1b5: {  	s5 =	sadd.s32 $0x10, s23;
	s6 =	sadd.s32 $0x80, s22  }
0x1b6: {  	[tilespmem:s6], [sflag:$0x1] =	stream.linear.gather [hbm4b:s5+s4], $0x10, $0x38;
	[tilespmem:$0x10700] =	vst v63  }
0x1b7: {  	s21 =	sadd.s32 $0x100, s22;
	s6 =	sadd.s32 $0x20, s23  }
0x1b8: {  	[tilespmem:s21], [sflag:$0x1] =	stream.linear.gather [hbm4b:s6+s4], $0x10, $0x38;
	[tilespmem:$0x10700] =	vst v63  }
0x1b9: {  	s6 =	sadd.s32 $0x30, s23;
	s21 =	sadd.s32 $0x180, s22  }
0x1ba: {  	[tilespmem:s21], [sflag:$0x1] =	stream.linear.gather [hbm4b:s6+s4], $0x10, $0x38;
	[tilespmem:$0x10700] =	vst v63  }
0x1bb: {  	s6 =	sadd.s32 $0x40, s23;
	s21 =	sadd.s32 $0x200, s22  }
0x1bc: {  	[tilespmem:s21], [sflag:$0x1] =	stream.linear.gather [hbm4b:s6+s4], $0x10, $0x38;
	[tilespmem:$0x10700] =	vst v63  }
0x1bd: {  	s28 =	sadd.s32 $0xF4280, s23;
	s6 =	sadd.s32 $0x50, s23;
	s21 =	sadd.s32 $0x280, s22  }
0x1be: {  	[tilespmem:s21], [sflag:$0x1] =	stream.linear.gather [hbm4b:s6+s4], $0x10, $0x38;
	[tilespmem:$0x10700] =	vst v63  }
0x1bf: {  	s5 =	simm.s32 $0x4000;
	s6 =	sadd.s32 $0x60, s23;
	s21 =	sadd.s32 $0x300, s22  }
0x1c0: {  	[tilespmem:s21], [sflag:$0x1] =	stream.linear.gather [hbm4b:s6+s4], $0x10, $0x38;
	[tilespmem:$0x10700] =	vst v63  }
0x1c1: {  	s22 =	sadd.s32 $0x380, s22;
	s6 =	simm.s32 $0x20000;
	s21 =	sadd.s32 $0x70, s23  }
.LBB2_12:
0x1c2: {  	[tilespmem:s22], [sflag:$0x1] =	stream.linear.gather [hbm4b:s21+s4], $0x10, $0x38;
	[tilespmem:$0x10700] =	vst v63  }
0x1c3: {  	s21 =	smov.u32 s6  }
0x1c4: {  	s23 =	sadd.s32 $0x10000, s6;
	s22 =	sadd.s32 s5, s3;
	s5 =	sshra.s32 s21, $0x2  }
0x1c5: {  	[tilespmem:s22], [sflag:$0x1] =	stream.linear.gather [hbm4b:s28+s4], $0x10, $0x38;
	[tilespmem:$0x10700] =	vst v63  }
0x1c6: {  	p0 =	seq.s32 s6, $0x30000;
	s6 =	sadd.s32 $0x10, s28;
	s21 =	sadd.s32 $0x80, s22  }
0x1c7: {  	[tilespmem:s21], [sflag:$0x1] =	stream.linear.gather [hbm4b:s6+s4], $0x10, $0x38;
	[tilespmem:$0x10700] =	vst v63  }
0x1c8: {  	s6 =	sadd.s32 $0x20, s28;
	s21 =	sadd.s32 $0x100, s22  }
0x1c9: {  	[tilespmem:s21], [sflag:$0x1] =	stream.linear.gather [hbm4b:s6+s4], $0x10, $0x38;
	[tilespmem:$0x10700] =	vst v63  }
0x1ca: {  	s6 =	sadd.s32 $0x30, s28;
	s21 =	sadd.s32 $0x180, s22  }
0x1cb: {  	[tilespmem:s21], [sflag:$0x1] =	stream.linear.gather [hbm4b:s6+s4], $0x10, $0x38;
	[tilespmem:$0x10700] =	vst v63  }
0x1cc: {  	s6 =	sadd.s32 $0x40, s28;
	s21 =	sadd.s32 $0x200, s22  }
0x1cd: {  	[tilespmem:s21], [sflag:$0x1] =	stream.linear.gather [hbm4b:s6+s4], $0x10, $0x38;
	[tilespmem:$0x10700] =	vst v63  }
.Ltmp23:
0x1ce: {  	s6 =	sadd.s32 $0x50, s28;
	s21 =	sadd.s32 $0x280, s22;
	(pc) =	sbr.rel @!p0 .LBB2_12-.Ltmp23, $4  }
0x1cf: {  	[tilespmem:s21], [sflag:$0x1] =	stream.linear.gather [hbm4b:s6+s4], $0x10, $0x38;
	[tilespmem:$0x10700] =	vst v63  }
0x1d0: {  	s6 =	sadd.s32 $0x60, s28;
	s21 =	sadd.s32 $0x300, s22;
	s22 =	sadd.s32 $0x380, s22  }
0x1d1: {  	[tilespmem:s21], [sflag:$0x1] =	stream.linear.gather [hbm4b:s6+s4], $0x10, $0x38;
	[tilespmem:$0x10700] =	vst v63  }
0x1d2: {  	s21 =	sadd.s32 $0x70, s28;
	s28 =	sadd.s32 $0xF4280, s28;
	s6 =	smov.u32 s23  }
0x1d3: {  	[tilespmem:s22], [sflag:$0x1] =	stream.linear.gather [hbm4b:s21+s4], $0x10, $0x38;
	[tilespmem:$0x10700] =	vst v63  }
0x1d4: {  	s5 =	sadd.s32 s5, s3  }
0x1d5: {  	[tilespmem:s5], [sflag:$0x1] =	stream.linear.gather [hbm4b:s28+s4], $0x10, $0x38;
	[tilespmem:$0x10700] =	vst v63  }
0x1d6: {  	s6 =	sadd.s32 $0x10, s28;
	s23 =	sadd.s32 $0x80, s5  }
0x1d7: {  	[tilespmem:s23], [sflag:$0x1] =	stream.linear.gather [hbm4b:s6+s4], $0x10, $0x38;
	[tilespmem:$0x10700] =	vst v63  }
0x1d8: {  	s22 =	sadd.s32 $0x20, s28;
	s23 =	sadd.s32 $0x100, s5  }
0x1d9: {  	[tilespmem:s23], [sflag:$0x1] =	stream.linear.gather [hbm4b:s22+s4], $0x10, $0x38;
	[tilespmem:$0x10700] =	vst v63  }
0x1da: {  	s22 =	sadd.s32 $0x30, s28;
	s23 =	sadd.s32 $0x180, s5  }
0x1db: {  	[tilespmem:s23], [sflag:$0x1] =	stream.linear.gather [hbm4b:s22+s4], $0x10, $0x38;
	[tilespmem:$0x10700] =	vst v63  }
0x1dc: {  	s22 =	sadd.s32 $0x40, s28;
	s23 =	sadd.s32 $0x200, s5  }
0x1dd: {  	[tilespmem:s23], [sflag:$0x1] =	stream.linear.gather [hbm4b:s22+s4], $0x10, $0x38;
	[tilespmem:$0x10700] =	vst v63  }
0x1de: {  	s22 =	sadd.s32 $0x50, s28;
	s23 =	sadd.s32 $0x280, s5  }
0x1df: {  	[tilespmem:s23], [sflag:$0x1] =	stream.linear.gather [hbm4b:s22+s4], $0x10, $0x38;
	[tilespmem:$0x10700] =	vst v63  }
.Ltmp24:
0x1e0: {  	_ = 	snop;
	(pc) =	sbr.rel .LBB2_34-.Ltmp24, $4  }
0x1e1: {  	s22 =	sadd.s32 $0x60, s28;
	s23 =	sadd.s32 $0x300, s5  }
0x1e2: {  	[tilespmem:s23], [sflag:$0x1] =	stream.linear.gather [hbm4b:s22+s4], $0x10, $0x38;
	[tilespmem:$0x10700] =	vst v63  }
0x1e3: {  	s28 =	sadd.s32 $0x70, s28;
	s5 =	sadd.s32 $0x380, s5  }
0x1e4: {  	[tilespmem:s5], [sflag:$0x1] =	stream.linear.gather [hbm4b:s28+s4], $0x10, $0x38;
	[tilespmem:$0x10700] =	vst v63  }
.LBB2_25:
0x1e5: {  	s23 =	sadd.s32 s5, s11;
	s22 =	sadd.s32 $0x0, s3  }
0x1e6: {  	[tilespmem:s22], [sflag:$0x1] =	stream.linear.gather [hbm4b:s23+s4], $0x10, $0x38;
	[tilespmem:$0x10700] =	vst v63  }
0x1e7: {  	s5 =	sadd.s32 $0x10, s23;
	s6 =	sadd.s32 $0x80, s22  }
0x1e8: {  	[tilespmem:s6], [sflag:$0x1] =	stream.linear.gather [hbm4b:s5+s4], $0x10, $0x38;
	[tilespmem:$0x10700] =	vst v63  }
0x1e9: {  	s21 =	sadd.s32 $0x100, s22;
	s6 =	sadd.s32 $0x20, s23  }
0x1ea: {  	[tilespmem:s21], [sflag:$0x1] =	stream.linear.gather [hbm4b:s6+s4], $0x10, $0x38;
	[tilespmem:$0x10700] =	vst v63  }
0x1eb: {  	s6 =	sadd.s32 $0x30, s23;
	s21 =	sadd.s32 $0x180, s22  }
0x1ec: {  	[tilespmem:s21], [sflag:$0x1] =	stream.linear.gather [hbm4b:s6+s4], $0x10, $0x38;
	[tilespmem:$0x10700] =	vst v63  }
0x1ed: {  	s6 =	sadd.s32 $0x40, s23;
	s21 =	sadd.s32 $0x200, s22  }
0x1ee: {  	[tilespmem:s21], [sflag:$0x1] =	stream.linear.gather [hbm4b:s6+s4], $0x10, $0x38;
	[tilespmem:$0x10700] =	vst v63  }
0x1ef: {  	s28 =	sadd.s32 $0xF4280, s23;
	s6 =	sadd.s32 $0x50, s23;
	s21 =	sadd.s32 $0x280, s22  }
0x1f0: {  	[tilespmem:s21], [sflag:$0x1] =	stream.linear.gather [hbm4b:s6+s4], $0x10, $0x38;
	[tilespmem:$0x10700] =	vst v63  }
0x1f1: {  	s5 =	simm.s32 $0x4000;
	s6 =	sadd.s32 $0x60, s23;
	s21 =	sadd.s32 $0x300, s22  }
0x1f2: {  	[tilespmem:s21], [sflag:$0x1] =	stream.linear.gather [hbm4b:s6+s4], $0x10, $0x38;
	[tilespmem:$0x10700] =	vst v63  }
0x1f3: {  	s22 =	sadd.s32 $0x380, s22;
	s6 =	simm.s32 $0x20000;
	s21 =	sadd.s32 $0x70, s23  }
.LBB2_26:
0x1f4: {  	[tilespmem:s22], [sflag:$0x1] =	stream.linear.gather [hbm4b:s21+s4], $0x10, $0x38;
	[tilespmem:$0x10700] =	vst v63  }
0x1f5: {  	s21 =	smov.u32 s6  }
0x1f6: {  	s23 =	sadd.s32 $0x10000, s6;
	s22 =	sadd.s32 s5, s3;
	s5 =	sshra.s32 s21, $0x2  }
0x1f7: {  	[tilespmem:s22], [sflag:$0x1] =	stream.linear.gather [hbm4b:s28+s4], $0x10, $0x38;
	[tilespmem:$0x10700] =	vst v63  }
0x1f8: {  	p0 =	seq.s32 s6, $0x30000;
	s6 =	sadd.s32 $0x10, s28;
	s21 =	sadd.s32 $0x80, s22  }
0x1f9: {  	[tilespmem:s21], [sflag:$0x1] =	stream.linear.gather [hbm4b:s6+s4], $0x10, $0x38;
	[tilespmem:$0x10700] =	vst v63  }
0x1fa: {  	s6 =	sadd.s32 $0x20, s28;
	s21 =	sadd.s32 $0x100, s22  }
0x1fb: {  	[tilespmem:s21], [sflag:$0x1] =	stream.linear.gather [hbm4b:s6+s4], $0x10, $0x38;
	[tilespmem:$0x10700] =	vst v63  }
0x1fc: {  	s6 =	sadd.s32 $0x30, s28;
	s21 =	sadd.s32 $0x180, s22  }
0x1fd: {  	[tilespmem:s21], [sflag:$0x1] =	stream.linear.gather [hbm4b:s6+s4], $0x10, $0x38;
	[tilespmem:$0x10700] =	vst v63  }
0x1fe: {  	s6 =	sadd.s32 $0x40, s28;
	s21 =	sadd.s32 $0x200, s22  }
0x1ff: {  	[tilespmem:s21], [sflag:$0x1] =	stream.linear.gather [hbm4b:s6+s4], $0x10, $0x38;
	[tilespmem:$0x10700] =	vst v63  }
.Ltmp25:
0x200: {  	s6 =	sadd.s32 $0x50, s28;
	s21 =	sadd.s32 $0x280, s22;
	(pc) =	sbr.rel @!p0 .LBB2_26-.Ltmp25, $4  }
0x201: {  	[tilespmem:s21], [sflag:$0x1] =	stream.linear.gather [hbm4b:s6+s4], $0x10, $0x38;
	[tilespmem:$0x10700] =	vst v63  }
0x202: {  	s6 =	sadd.s32 $0x60, s28;
	s21 =	sadd.s32 $0x300, s22;
	s22 =	sadd.s32 $0x380, s22  }
0x203: {  	[tilespmem:s21], [sflag:$0x1] =	stream.linear.gather [hbm4b:s6+s4], $0x10, $0x38;
	[tilespmem:$0x10700] =	vst v63  }
0x204: {  	s21 =	sadd.s32 $0x70, s28;
	s28 =	sadd.s32 $0xF4280, s28;
	s6 =	smov.u32 s23  }
0x205: {  	[tilespmem:s22], [sflag:$0x1] =	stream.linear.gather [hbm4b:s21+s4], $0x10, $0x38;
	[tilespmem:$0x10700] =	vst v63  }
0x206: {  	s5 =	sadd.s32 s5, s3  }
0x207: {  	[tilespmem:s5], [sflag:$0x1] =	stream.linear.gather [hbm4b:s28+s4], $0x10, $0x38;
	[tilespmem:$0x10700] =	vst v63  }
0x208: {  	s6 =	sadd.s32 $0x10, s28;
	s23 =	sadd.s32 $0x80, s5  }
0x209: {  	[tilespmem:s23], [sflag:$0x1] =	stream.linear.gather [hbm4b:s6+s4], $0x10, $0x38;
	[tilespmem:$0x10700] =	vst v63  }
0x20a: {  	s22 =	sadd.s32 $0x20, s28;
	s23 =	sadd.s32 $0x100, s5  }
0x20b: {  	[tilespmem:s23], [sflag:$0x1] =	stream.linear.gather [hbm4b:s22+s4], $0x10, $0x38;
	[tilespmem:$0x10700] =	vst v63  }
0x20c: {  	s22 =	sadd.s32 $0x30, s28;
	s23 =	sadd.s32 $0x180, s5  }
0x20d: {  	[tilespmem:s23], [sflag:$0x1] =	stream.linear.gather [hbm4b:s22+s4], $0x10, $0x38;
	[tilespmem:$0x10700] =	vst v63  }
0x20e: {  	s22 =	sadd.s32 $0x40, s28;
	s23 =	sadd.s32 $0x200, s5  }
0x20f: {  	[tilespmem:s23], [sflag:$0x1] =	stream.linear.gather [hbm4b:s22+s4], $0x10, $0x38;
	[tilespmem:$0x10700] =	vst v63  }
0x210: {  	s22 =	sadd.s32 $0x50, s28;
	s23 =	sadd.s32 $0x280, s5  }
0x211: {  	[tilespmem:s23], [sflag:$0x1] =	stream.linear.gather [hbm4b:s22+s4], $0x10, $0x38;
	[tilespmem:$0x10700] =	vst v63  }
.Ltmp26:
0x212: {  	_ = 	snop;
	(pc) =	sbr.rel .LBB2_34-.Ltmp26, $4  }
0x213: {  	s22 =	sadd.s32 $0x60, s28;
	s23 =	sadd.s32 $0x300, s5  }
0x214: {  	[tilespmem:s23], [sflag:$0x1] =	stream.linear.gather [hbm4b:s22+s4], $0x10, $0x38;
	[tilespmem:$0x10700] =	vst v63  }
0x215: {  	s28 =	sadd.s32 $0x70, s28;
	s5 =	sadd.s32 $0x380, s5  }
0x216: {  	[tilespmem:s5], [sflag:$0x1] =	stream.linear.gather [hbm4b:s28+s4], $0x10, $0x38;
	[tilespmem:$0x10700] =	vst v63  }
.LBB2_15:
0x217: {  	s28 =	sadd.s32 s5, s7;
	s22 =	sadd.s32 $0x0, s3  }
0x218: {  	[tilespmem:s22], [sflag:$0x1] =	stream.linear.gather [hbm4b:s28+s4], $0x10, $0x38;
	[tilespmem:$0x10700] =	vst v63  }
0x219: {  	s5 =	sadd.s32 $0x10, s28;
	s6 =	sadd.s32 $0x80, s22  }
0x21a: {  	[tilespmem:s6], [sflag:$0x1] =	stream.linear.gather [hbm4b:s5+s4], $0x10, $0x38;
	[tilespmem:$0x10700] =	vst v63  }
0x21b: {  	s21 =	sadd.s32 $0x20, s28;
	s23 =	sadd.s32 $0x100, s22  }
0x21c: {  	[tilespmem:s23], [sflag:$0x1] =	stream.linear.gather [hbm4b:s21+s4], $0x10, $0x38;
	[tilespmem:$0x10700] =	vst v63  }
0x21d: {  	s21 =	sadd.s32 $0x30, s28;
	s23 =	sadd.s32 $0x180, s22  }
0x21e: {  	[tilespmem:s23], [sflag:$0x1] =	stream.linear.gather [hbm4b:s21+s4], $0x10, $0x38;
	[tilespmem:$0x10700] =	vst v63  }
0x21f: {  	s21 =	sadd.s32 $0x40, s28;
	s23 =	sadd.s32 $0x200, s22  }
0x220: {  	[tilespmem:s23], [sflag:$0x1] =	stream.linear.gather [hbm4b:s21+s4], $0x10, $0x38;
	[tilespmem:$0x10700] =	vst v63  }
0x221: {  	s5 =	simm.s32 $0x4000;
	s21 =	sadd.s32 $0x50, s28;
	s23 =	sadd.s32 $0x280, s22  }
0x222: {  	[tilespmem:s23], [sflag:$0x1] =	stream.linear.gather [hbm4b:s21+s4], $0x10, $0x38;
	[tilespmem:$0x10700] =	vst v63  }
0x223: {  	s6 =	simm.s32 $0x20000;
	s21 =	sadd.s32 $0x60, s28;
	s23 =	sadd.s32 $0x300, s22  }
0x224: {  	[tilespmem:s23], [sflag:$0x1] =	stream.linear.gather [hbm4b:s21+s4], $0x10, $0x38;
	[tilespmem:$0x10700] =	vst v63  }
0x225: {  	s22 =	sadd.s32 $0x380, s22;
	s21 =	sadd.s32 $0x70, s28;
	s28 =	sadd.s32 $0xF4280, s28  }
.LBB2_16:
0x226: {  	[tilespmem:s22], [sflag:$0x1] =	stream.linear.gather [hbm4b:s21+s4], $0x10, $0x38;
	[tilespmem:$0x10700] =	vst v63  }
0x227: {  	s21 =	smov.u32 s6  }
0x228: {  	s23 =	sadd.s32 $0x10000, s6;
	s22 =	sadd.s32 s5, s3;
	s5 =	sshra.s32 s21, $0x2  }
0x229: {  	[tilespmem:s22], [sflag:$0x1] =	stream.linear.gather [hbm4b:s28+s4], $0x10, $0x38;
	[tilespmem:$0x10700] =	vst v63  }
0x22a: {  	p0 =	seq.s32 s6, $0x30000;
	s6 =	sadd.s32 $0x10, s28;
	s21 =	sadd.s32 $0x80, s22  }
0x22b: {  	[tilespmem:s21], [sflag:$0x1] =	stream.linear.gather [hbm4b:s6+s4], $0x10, $0x38;
	[tilespmem:$0x10700] =	vst v63  }
0x22c: {  	s6 =	sadd.s32 $0x20, s28;
	s21 =	sadd.s32 $0x100, s22  }
0x22d: {  	[tilespmem:s21], [sflag:$0x1] =	stream.linear.gather [hbm4b:s6+s4], $0x10, $0x38;
	[tilespmem:$0x10700] =	vst v63  }
0x22e: {  	s6 =	sadd.s32 $0x30, s28;
	s21 =	sadd.s32 $0x180, s22  }
0x22f: {  	[tilespmem:s21], [sflag:$0x1] =	stream.linear.gather [hbm4b:s6+s4], $0x10, $0x38;
	[tilespmem:$0x10700] =	vst v63  }
0x230: {  	s6 =	sadd.s32 $0x40, s28;
	s21 =	sadd.s32 $0x200, s22  }
0x231: {  	[tilespmem:s21], [sflag:$0x1] =	stream.linear.gather [hbm4b:s6+s4], $0x10, $0x38;
	[tilespmem:$0x10700] =	vst v63  }
.Ltmp27:
0x232: {  	s6 =	sadd.s32 $0x50, s28;
	s21 =	sadd.s32 $0x280, s22;
	(pc) =	sbr.rel @!p0 .LBB2_16-.Ltmp27, $4  }
0x233: {  	[tilespmem:s21], [sflag:$0x1] =	stream.linear.gather [hbm4b:s6+s4], $0x10, $0x38;
	[tilespmem:$0x10700] =	vst v63  }
0x234: {  	s6 =	sadd.s32 $0x60, s28;
	s21 =	sadd.s32 $0x300, s22;
	s22 =	sadd.s32 $0x380, s22  }
0x235: {  	[tilespmem:s21], [sflag:$0x1] =	stream.linear.gather [hbm4b:s6+s4], $0x10, $0x38;
	[tilespmem:$0x10700] =	vst v63  }
0x236: {  	s21 =	sadd.s32 $0x70, s28;
	s28 =	sadd.s32 $0xF4280, s28;
	s6 =	smov.u32 s23  }
0x237: {  	[tilespmem:s22], [sflag:$0x1] =	stream.linear.gather [hbm4b:s21+s4], $0x10, $0x38;
	[tilespmem:$0x10700] =	vst v63  }
0x238: {  	s5 =	sadd.s32 s5, s3  }
0x239: {  	[tilespmem:s5], [sflag:$0x1] =	stream.linear.gather [hbm4b:s28+s4], $0x10, $0x38;
	[tilespmem:$0x10700] =	vst v63  }
0x23a: {  	s6 =	sadd.s32 $0x10, s28;
	s23 =	sadd.s32 $0x80, s5  }
0x23b: {  	[tilespmem:s23], [sflag:$0x1] =	stream.linear.gather [hbm4b:s6+s4], $0x10, $0x38;
	[tilespmem:$0x10700] =	vst v63  }
0x23c: {  	s22 =	sadd.s32 $0x20, s28;
	s23 =	sadd.s32 $0x100, s5  }
0x23d: {  	[tilespmem:s23], [sflag:$0x1] =	stream.linear.gather [hbm4b:s22+s4], $0x10, $0x38;
	[tilespmem:$0x10700] =	vst v63  }
0x23e: {  	s22 =	sadd.s32 $0x30, s28;
	s23 =	sadd.s32 $0x180, s5  }
0x23f: {  	[tilespmem:s23], [sflag:$0x1] =	stream.linear.gather [hbm4b:s22+s4], $0x10, $0x38;
	[tilespmem:$0x10700] =	vst v63  }
0x240: {  	s22 =	sadd.s32 $0x40, s28;
	s23 =	sadd.s32 $0x200, s5  }
0x241: {  	[tilespmem:s23], [sflag:$0x1] =	stream.linear.gather [hbm4b:s22+s4], $0x10, $0x38;
	[tilespmem:$0x10700] =	vst v63  }
0x242: {  	s22 =	sadd.s32 $0x50, s28;
	s23 =	sadd.s32 $0x280, s5  }
0x243: {  	[tilespmem:s23], [sflag:$0x1] =	stream.linear.gather [hbm4b:s22+s4], $0x10, $0x38;
	[tilespmem:$0x10700] =	vst v63  }
0x244: {  	s22 =	sadd.s32 $0x60, s28;
	s23 =	sadd.s32 $0x300, s5  }
0x245: {  	[tilespmem:s23], [sflag:$0x1] =	stream.linear.gather [hbm4b:s22+s4], $0x10, $0x38;
	[tilespmem:$0x10700] =	vst v63  }
0x246: {  	s28 =	sadd.s32 $0x70, s28;
	s5 =	sadd.s32 $0x380, s5  }
0x247: {  	[tilespmem:s5], [sflag:$0x1] =	stream.linear.gather [hbm4b:s28+s4], $0x10, $0x38;
	[tilespmem:$0x10700] =	vst v63  }
.LBB2_34:
0x248: {  	s5 =	sshrl.u32 s24, $0x4  }
0x249: {  	s6 =	sand.u32 $0x7, s5  }
0x24a: {  	p0 =	sgt.s32 s6, $0x3  }
.Ltmp28:
0x24b: {  	_ = 	snop;
	(pc) =	sbr.rel @p0 .LBB2_40-.Ltmp28, $2  }
0x24c: {  	_ =	sdelay $0x2  }
0x24d: {  	s21 =	sadd.s32 $0x0, s3;
	s5 =	sand.u32 $0x1FFFFF80, s24  }
0x24e: {  	p0 =	sgt.s32 s6, $0x1  }
.Ltmp29:
0x24f: {  	_ = 	snop;
	(pc) =	sbr.rel @p0 .LBB2_55-.Ltmp29, $1  }
0x250: {  	_ =	sdelay $0x3  }
0x251: {  	p0 =	seq.s32 s6, $0x0  }
.Ltmp30:
0x252: {  	_ = 	snop;
	(pc) =	sbr.rel @!p0 .LBB2_37-.Ltmp30, $1  }
0x253: {  	_ =	sdelay $0x3  }
0x254: {  	s22 =	sadd.s32 s2, s5;
	s23 =	sadd.s32 $0x40, s21  }
0x255: {  	[tilespmem:s23], [sflag:$0x1] =	stream.linear.gather [hbm4b:s22+s4], $0x10, $0x38;
	[tilespmem:$0x10700] =	vst v63  }
0x256: {  	s6 =	sadd.s32 $0xC0, s21;
	s24 =	sadd.s32 $0x10, s22  }
0x257: {  	[tilespmem:s6], [sflag:$0x1] =	stream.linear.gather [hbm4b:s24+s4], $0x10, $0x38;
	[tilespmem:$0x10700] =	vst v63  }
0x258: {  	s23 =	sadd.s32 $0x20, s22;
	s24 =	sadd.s32 $0x140, s21  }
0x259: {  	[tilespmem:s24], [sflag:$0x1] =	stream.linear.gather [hbm4b:s23+s4], $0x10, $0x38;
	[tilespmem:$0x10700] =	vst v63  }
0x25a: {  	s23 =	sadd.s32 $0x30, s22;
	s24 =	sadd.s32 $0x1C0, s21  }
0x25b: {  	[tilespmem:s24], [sflag:$0x1] =	stream.linear.gather [hbm4b:s23+s4], $0x10, $0x38;
	[tilespmem:$0x10700] =	vst v63  }
0x25c: {  	s23 =	sadd.s32 $0x40, s22;
	s24 =	sadd.s32 $0x240, s21  }
0x25d: {  	[tilespmem:s24], [sflag:$0x1] =	stream.linear.gather [hbm4b:s23+s4], $0x10, $0x38;
	[tilespmem:$0x10700] =	vst v63  }
0x25e: {  	s28 =	simm.s32 $0x4000;
	s23 =	sadd.s32 $0x50, s22;
	s24 =	sadd.s32 $0x2C0, s21  }
0x25f: {  	[tilespmem:s24], [sflag:$0x1] =	stream.linear.gather [hbm4b:s23+s4], $0x10, $0x38;
	[tilespmem:$0x10700] =	vst v63  }
0x260: {  	s5 =	simm.s32 $0x20000;
	s23 =	sadd.s32 $0x60, s22;
	s24 =	sadd.s32 $0x340, s21  }
0x261: {  	[tilespmem:s24], [sflag:$0x1] =	stream.linear.gather [hbm4b:s23+s4], $0x10, $0x38;
	[tilespmem:$0x10700] =	vst v63  }
0x262: {  	s6 =	sadd.s32 $0x70, s22;
	s21 =	sadd.s32 $0x3C0, s21;
	s24 =	sadd.s32 $0xF4280, s22  }
.LBB2_63:
0x263: {  	[tilespmem:s21], [sflag:$0x1] =	stream.linear.gather [hbm4b:s6+s4], $0x10, $0x38;
	[tilespmem:$0x10700] =	vst v63  }
0x264: {  	s6 =	smov.u32 s5  }
0x265: {  	s22 =	sadd.s32 $0x10000, s5;
	s21 =	sadd.s32 s28, s3;
	s28 =	sshra.s32 s6, $0x2  }
0x266: {  	p0 =	sne.s32 s5, $0x30000;
	s5 =	sadd.s32 $0x40, s21  }
0x267: {  	[tilespmem:s5], [sflag:$0x1] =	stream.linear.gather [hbm4b:s24+s4], $0x10, $0x38;
	[tilespmem:$0x10700] =	vst v63  }
0x268: {  	s6 =	sadd.s32 $0xC0, s21;
	s5 =	sadd.s32 $0x10, s24  }
0x269: {  	[tilespmem:s6], [sflag:$0x1] =	stream.linear.gather [hbm4b:s5+s4], $0x10, $0x38;
	[tilespmem:$0x10700] =	vst v63  }
0x26a: {  	s5 =	sadd.s32 $0x20, s24;
	s6 =	sadd.s32 $0x140, s21  }
0x26b: {  	[tilespmem:s6], [sflag:$0x1] =	stream.linear.gather [hbm4b:s5+s4], $0x10, $0x38;
	[tilespmem:$0x10700] =	vst v63  }
0x26c: {  	s5 =	sadd.s32 $0x30, s24;
	s6 =	sadd.s32 $0x1C0, s21  }
0x26d: {  	[tilespmem:s6], [sflag:$0x1] =	stream.linear.gather [hbm4b:s5+s4], $0x10, $0x38;
	[tilespmem:$0x10700] =	vst v63  }
0x26e: {  	s5 =	sadd.s32 $0x40, s24;
	s6 =	sadd.s32 $0x240, s21  }
0x26f: {  	[tilespmem:s6], [sflag:$0x1] =	stream.linear.gather [hbm4b:s5+s4], $0x10, $0x38;
	[tilespmem:$0x10700] =	vst v63  }
.Ltmp31:
0x270: {  	s5 =	sadd.s32 $0x50, s24;
	s6 =	sadd.s32 $0x2C0, s21;
	(pc) =	sbr.rel @p0 .LBB2_63-.Ltmp31, $4  }
0x271: {  	[tilespmem:s6], [sflag:$0x1] =	stream.linear.gather [hbm4b:s5+s4], $0x10, $0x38;
	[tilespmem:$0x10700] =	vst v63  }
0x272: {  	s5 =	sadd.s32 $0x60, s24;
	s6 =	sadd.s32 $0x340, s21;
	s21 =	sadd.s32 $0x3C0, s21  }
0x273: {  	[tilespmem:s6], [sflag:$0x1] =	stream.linear.gather [hbm4b:s5+s4], $0x10, $0x38;
	[tilespmem:$0x10700] =	vst v63  }
0x274: {  	s6 =	sadd.s32 $0x70, s24;
	s24 =	sadd.s32 $0xF4280, s24;
	s5 =	smov.u32 s22  }
.Ltmp32:
0x275: {  	_ = 	snop;
	(pc) =	sbr.rel .LBB2_64-.Ltmp32, $1  }
0x276: {  	_ =	sdelay $0x3  }
.LBB2_40:
0x277: {  	p0 =	sgt.s32 s6, $0x5  }
.Ltmp33:
0x278: {  	_ = 	snop;
	(pc) =	sbr.rel @p0 .LBB2_45-.Ltmp33, $1  }
0x279: {  	_ =	sdelay $0x3  }
0x27a: {  	p0 =	seq.s32 s6, $0x4  }
.Ltmp34:
0x27b: {  	_ = 	snop;
	(pc) =	sbr.rel @!p0 .LBB2_42-.Ltmp34, $1  }
0x27c: {  	_ =	sdelay $0x3  }
0x27d: {  	s22 =	sadd.s32 s5, s17;
	s23 =	sadd.s32 $0x40, s21  }
0x27e: {  	[tilespmem:s23], [sflag:$0x1] =	stream.linear.gather [hbm4b:s22+s4], $0x10, $0x38;
	[tilespmem:$0x10700] =	vst v63  }
0x27f: {  	s6 =	sadd.s32 $0xC0, s21;
	s24 =	sadd.s32 $0x10, s22  }
0x280: {  	[tilespmem:s6], [sflag:$0x1] =	stream.linear.gather [hbm4b:s24+s4], $0x10, $0x38;
	[tilespmem:$0x10700] =	vst v63  }
0x281: {  	s23 =	sadd.s32 $0x20, s22;
	s24 =	sadd.s32 $0x140, s21  }
0x282: {  	[tilespmem:s24], [sflag:$0x1] =	stream.linear.gather [hbm4b:s23+s4], $0x10, $0x38;
	[tilespmem:$0x10700] =	vst v63  }
0x283: {  	s23 =	sadd.s32 $0x30, s22;
	s24 =	sadd.s32 $0x1C0, s21  }
0x284: {  	[tilespmem:s24], [sflag:$0x1] =	stream.linear.gather [hbm4b:s23+s4], $0x10, $0x38;
	[tilespmem:$0x10700] =	vst v63  }
0x285: {  	s23 =	sadd.s32 $0x40, s22;
	s24 =	sadd.s32 $0x240, s21  }
0x286: {  	[tilespmem:s24], [sflag:$0x1] =	stream.linear.gather [hbm4b:s23+s4], $0x10, $0x38;
	[tilespmem:$0x10700] =	vst v63  }
0x287: {  	s28 =	simm.s32 $0x4000;
	s23 =	sadd.s32 $0x50, s22;
	s24 =	sadd.s32 $0x2C0, s21  }
0x288: {  	[tilespmem:s24], [sflag:$0x1] =	stream.linear.gather [hbm4b:s23+s4], $0x10, $0x38;
	[tilespmem:$0x10700] =	vst v63  }
0x289: {  	s5 =	simm.s32 $0x20000;
	s23 =	sadd.s32 $0x60, s22;
	s24 =	sadd.s32 $0x340, s21  }
0x28a: {  	[tilespmem:s24], [sflag:$0x1] =	stream.linear.gather [hbm4b:s23+s4], $0x10, $0x38;
	[tilespmem:$0x10700] =	vst v63  }
0x28b: {  	s6 =	sadd.s32 $0x70, s22;
	s21 =	sadd.s32 $0x3C0, s21;
	s24 =	sadd.s32 $0xF4280, s22  }
.LBB2_53:
0x28c: {  	[tilespmem:s21], [sflag:$0x1] =	stream.linear.gather [hbm4b:s6+s4], $0x10, $0x38;
	[tilespmem:$0x10700] =	vst v63  }
0x28d: {  	s6 =	smov.u32 s5  }
0x28e: {  	s22 =	sadd.s32 $0x10000, s5;
	s21 =	sadd.s32 s28, s3;
	s28 =	sshra.s32 s6, $0x2  }
0x28f: {  	p0 =	seq.s32 s5, $0x30000;
	s5 =	sadd.s32 $0x40, s21  }
0x290: {  	[tilespmem:s5], [sflag:$0x1] =	stream.linear.gather [hbm4b:s24+s4], $0x10, $0x38;
	[tilespmem:$0x10700] =	vst v63  }
0x291: {  	s6 =	sadd.s32 $0xC0, s21;
	s5 =	sadd.s32 $0x10, s24  }
0x292: {  	[tilespmem:s6], [sflag:$0x1] =	stream.linear.gather [hbm4b:s5+s4], $0x10, $0x38;
	[tilespmem:$0x10700] =	vst v63  }
0x293: {  	s5 =	sadd.s32 $0x20, s24;
	s6 =	sadd.s32 $0x140, s21  }
0x294: {  	[tilespmem:s6], [sflag:$0x1] =	stream.linear.gather [hbm4b:s5+s4], $0x10, $0x38;
	[tilespmem:$0x10700] =	vst v63  }
0x295: {  	s5 =	sadd.s32 $0x30, s24;
	s6 =	sadd.s32 $0x1C0, s21  }
0x296: {  	[tilespmem:s6], [sflag:$0x1] =	stream.linear.gather [hbm4b:s5+s4], $0x10, $0x38;
	[tilespmem:$0x10700] =	vst v63  }
0x297: {  	s5 =	sadd.s32 $0x40, s24;
	s6 =	sadd.s32 $0x240, s21  }
0x298: {  	[tilespmem:s6], [sflag:$0x1] =	stream.linear.gather [hbm4b:s5+s4], $0x10, $0x38;
	[tilespmem:$0x10700] =	vst v63  }
.Ltmp35:
0x299: {  	s5 =	sadd.s32 $0x50, s24;
	s6 =	sadd.s32 $0x2C0, s21;
	(pc) =	sbr.rel @!p0 .LBB2_53-.Ltmp35, $4  }
0x29a: {  	[tilespmem:s6], [sflag:$0x1] =	stream.linear.gather [hbm4b:s5+s4], $0x10, $0x38;
	[tilespmem:$0x10700] =	vst v63  }
0x29b: {  	s5 =	sadd.s32 $0x60, s24;
	s6 =	sadd.s32 $0x340, s21;
	s21 =	sadd.s32 $0x3C0, s21  }
0x29c: {  	[tilespmem:s6], [sflag:$0x1] =	stream.linear.gather [hbm4b:s5+s4], $0x10, $0x38;
	[tilespmem:$0x10700] =	vst v63  }
0x29d: {  	s6 =	sadd.s32 $0x70, s24;
	s24 =	sadd.s32 $0xF4280, s24;
	s5 =	smov.u32 s22  }
0x29e: {  	[tilespmem:s21], [sflag:$0x1] =	stream.linear.gather [hbm4b:s6+s4], $0x10, $0x38;
	[tilespmem:$0x10700] =	vst v63  }
0x29f: {  	s5 =	sadd.s32 s28, s3  }
0x2a0: {  	s22 =	sadd.s32 $0x40, s5  }
0x2a1: {  	[tilespmem:s22], [sflag:$0x1] =	stream.linear.gather [hbm4b:s24+s4], $0x10, $0x38;
	[tilespmem:$0x10700] =	vst v63  }
0x2a2: {  	s23 =	sadd.s32 $0x10, s24;
	s28 =	sadd.s32 $0xC0, s5  }
0x2a3: {  	[tilespmem:s28], [sflag:$0x1] =	stream.linear.gather [hbm4b:s23+s4], $0x10, $0x38;
	[tilespmem:$0x10700] =	vst v63  }
0x2a4: {  	s21 =	sadd.s32 $0x20, s24;
	s22 =	sadd.s32 $0x140, s5  }
0x2a5: {  	[tilespmem:s22], [sflag:$0x1] =	stream.linear.gather [hbm4b:s21+s4], $0x10, $0x38;
	[tilespmem:$0x10700] =	vst v63  }
0x2a6: {  	s23 =	sadd.s32 $0x30, s24;
	s28 =	sadd.s32 $0x1C0, s5  }
0x2a7: {  	[tilespmem:s28], [sflag:$0x1] =	stream.linear.gather [hbm4b:s23+s4], $0x10, $0x38;
	[tilespmem:$0x10700] =	vst v63  }
0x2a8: {  	s21 =	sadd.s32 $0x40, s24;
	s22 =	sadd.s32 $0x240, s5  }
0x2a9: {  	[tilespmem:s22], [sflag:$0x1] =	stream.linear.gather [hbm4b:s21+s4], $0x10, $0x38;
	[tilespmem:$0x10700] =	vst v63  }
0x2aa: {  	s23 =	sadd.s32 $0x50, s24;
	s28 =	sadd.s32 $0x2C0, s5  }
0x2ab: {  	[tilespmem:s28], [sflag:$0x1] =	stream.linear.gather [hbm4b:s23+s4], $0x10, $0x38;
	[tilespmem:$0x10700] =	vst v63  }
.Ltmp36:
0x2ac: {  	_ = 	snop;
	(pc) =	sbr.rel .LBB2_65-.Ltmp36, $4  }
0x2ad: {  	s22 =	sadd.s32 $0x60, s24;
	s23 =	sadd.s32 $0x340, s5  }
0x2ae: {  	[tilespmem:s23], [sflag:$0x1] =	stream.linear.gather [hbm4b:s22+s4], $0x10, $0x38;
	[tilespmem:$0x10700] =	vst v63  }
0x2af: {  	s28 =	sadd.s32 $0x70, s24;
	s5 =	sadd.s32 $0x3C0, s5  }
0x2b0: {  	[tilespmem:s5], [sflag:$0x1] =	stream.linear.gather [hbm4b:s28+s4], $0x10, $0x38;
	[tilespmem:$0x10700] =	vst v63  }
.LBB2_55:
0x2b1: {  	p0 =	seq.s32 s6, $0x2  }
.Ltmp37:
0x2b2: {  	_ = 	snop;
	(pc) =	sbr.rel @!p0 .LBB2_56-.Ltmp37, $1  }
0x2b3: {  	_ =	sdelay $0x3  }
0x2b4: {  	s22 =	sadd.s32 s5, s19;
	s23 =	sadd.s32 $0x40, s21  }
0x2b5: {  	[tilespmem:s23], [sflag:$0x1] =	stream.linear.gather [hbm4b:s22+s4], $0x10, $0x38;
	[tilespmem:$0x10700] =	vst v63  }
0x2b6: {  	s6 =	sadd.s32 $0xC0, s21;
	s24 =	sadd.s32 $0x10, s22  }
0x2b7: {  	[tilespmem:s6], [sflag:$0x1] =	stream.linear.gather [hbm4b:s24+s4], $0x10, $0x38;
	[tilespmem:$0x10700] =	vst v63  }
0x2b8: {  	s23 =	sadd.s32 $0x20, s22;
	s24 =	sadd.s32 $0x140, s21  }
0x2b9: {  	[tilespmem:s24], [sflag:$0x1] =	stream.linear.gather [hbm4b:s23+s4], $0x10, $0x38;
	[tilespmem:$0x10700] =	vst v63  }
0x2ba: {  	s23 =	sadd.s32 $0x30, s22;
	s24 =	sadd.s32 $0x1C0, s21  }
0x2bb: {  	[tilespmem:s24], [sflag:$0x1] =	stream.linear.gather [hbm4b:s23+s4], $0x10, $0x38;
	[tilespmem:$0x10700] =	vst v63  }
0x2bc: {  	s23 =	sadd.s32 $0x40, s22;
	s24 =	sadd.s32 $0x240, s21  }
0x2bd: {  	[tilespmem:s24], [sflag:$0x1] =	stream.linear.gather [hbm4b:s23+s4], $0x10, $0x38;
	[tilespmem:$0x10700] =	vst v63  }
0x2be: {  	s28 =	simm.s32 $0x4000;
	s23 =	sadd.s32 $0x50, s22;
	s24 =	sadd.s32 $0x2C0, s21  }
0x2bf: {  	[tilespmem:s24], [sflag:$0x1] =	stream.linear.gather [hbm4b:s23+s4], $0x10, $0x38;
	[tilespmem:$0x10700] =	vst v63  }
0x2c0: {  	s5 =	simm.s32 $0x20000;
	s23 =	sadd.s32 $0x60, s22;
	s24 =	sadd.s32 $0x340, s21  }
0x2c1: {  	[tilespmem:s24], [sflag:$0x1] =	stream.linear.gather [hbm4b:s23+s4], $0x10, $0x38;
	[tilespmem:$0x10700] =	vst v63  }
0x2c2: {  	s6 =	sadd.s32 $0x70, s22;
	s21 =	sadd.s32 $0x3C0, s21;
	s24 =	sadd.s32 $0xF4280, s22  }
.LBB2_60:
0x2c3: {  	[tilespmem:s21], [sflag:$0x1] =	stream.linear.gather [hbm4b:s6+s4], $0x10, $0x38;
	[tilespmem:$0x10700] =	vst v63  }
0x2c4: {  	s6 =	smov.u32 s5  }
0x2c5: {  	s22 =	sadd.s32 $0x10000, s5;
	s21 =	sadd.s32 s28, s3;
	s28 =	sshra.s32 s6, $0x2  }
0x2c6: {  	p0 =	seq.s32 s5, $0x30000;
	s5 =	sadd.s32 $0x40, s21  }
0x2c7: {  	[tilespmem:s5], [sflag:$0x1] =	stream.linear.gather [hbm4b:s24+s4], $0x10, $0x38;
	[tilespmem:$0x10700] =	vst v63  }
0x2c8: {  	s6 =	sadd.s32 $0xC0, s21;
	s5 =	sadd.s32 $0x10, s24  }
0x2c9: {  	[tilespmem:s6], [sflag:$0x1] =	stream.linear.gather [hbm4b:s5+s4], $0x10, $0x38;
	[tilespmem:$0x10700] =	vst v63  }
0x2ca: {  	s5 =	sadd.s32 $0x20, s24;
	s6 =	sadd.s32 $0x140, s21  }
0x2cb: {  	[tilespmem:s6], [sflag:$0x1] =	stream.linear.gather [hbm4b:s5+s4], $0x10, $0x38;
	[tilespmem:$0x10700] =	vst v63  }
0x2cc: {  	s5 =	sadd.s32 $0x30, s24;
	s6 =	sadd.s32 $0x1C0, s21  }
0x2cd: {  	[tilespmem:s6], [sflag:$0x1] =	stream.linear.gather [hbm4b:s5+s4], $0x10, $0x38;
	[tilespmem:$0x10700] =	vst v63  }
0x2ce: {  	s5 =	sadd.s32 $0x40, s24;
	s6 =	sadd.s32 $0x240, s21  }
0x2cf: {  	[tilespmem:s6], [sflag:$0x1] =	stream.linear.gather [hbm4b:s5+s4], $0x10, $0x38;
	[tilespmem:$0x10700] =	vst v63  }
.Ltmp38:
0x2d0: {  	s5 =	sadd.s32 $0x50, s24;
	s6 =	sadd.s32 $0x2C0, s21;
	(pc) =	sbr.rel @!p0 .LBB2_60-.Ltmp38, $4  }
0x2d1: {  	[tilespmem:s6], [sflag:$0x1] =	stream.linear.gather [hbm4b:s5+s4], $0x10, $0x38;
	[tilespmem:$0x10700] =	vst v63  }
0x2d2: {  	s5 =	sadd.s32 $0x60, s24;
	s6 =	sadd.s32 $0x340, s21;
	s21 =	sadd.s32 $0x3C0, s21  }
0x2d3: {  	[tilespmem:s6], [sflag:$0x1] =	stream.linear.gather [hbm4b:s5+s4], $0x10, $0x38;
	[tilespmem:$0x10700] =	vst v63  }
0x2d4: {  	s6 =	sadd.s32 $0x70, s24;
	s24 =	sadd.s32 $0xF4280, s24;
	s5 =	smov.u32 s22  }
0x2d5: {  	[tilespmem:s21], [sflag:$0x1] =	stream.linear.gather [hbm4b:s6+s4], $0x10, $0x38;
	[tilespmem:$0x10700] =	vst v63  }
0x2d6: {  	s5 =	sadd.s32 s28, s3  }
0x2d7: {  	s22 =	sadd.s32 $0x40, s5  }
0x2d8: {  	[tilespmem:s22], [sflag:$0x1] =	stream.linear.gather [hbm4b:s24+s4], $0x10, $0x38;
	[tilespmem:$0x10700] =	vst v63  }
0x2d9: {  	s23 =	sadd.s32 $0x10, s24;
	s28 =	sadd.s32 $0xC0, s5  }
0x2da: {  	[tilespmem:s28], [sflag:$0x1] =	stream.linear.gather [hbm4b:s23+s4], $0x10, $0x38;
	[tilespmem:$0x10700] =	vst v63  }
0x2db: {  	s21 =	sadd.s32 $0x20, s24;
	s22 =	sadd.s32 $0x140, s5  }
0x2dc: {  	[tilespmem:s22], [sflag:$0x1] =	stream.linear.gather [hbm4b:s21+s4], $0x10, $0x38;
	[tilespmem:$0x10700] =	vst v63  }
0x2dd: {  	s23 =	sadd.s32 $0x30, s24;
	s28 =	sadd.s32 $0x1C0, s5  }
0x2de: {  	[tilespmem:s28], [sflag:$0x1] =	stream.linear.gather [hbm4b:s23+s4], $0x10, $0x38;
	[tilespmem:$0x10700] =	vst v63  }
0x2df: {  	s21 =	sadd.s32 $0x40, s24;
	s22 =	sadd.s32 $0x240, s5  }
0x2e0: {  	[tilespmem:s22], [sflag:$0x1] =	stream.linear.gather [hbm4b:s21+s4], $0x10, $0x38;
	[tilespmem:$0x10700] =	vst v63  }
0x2e1: {  	s23 =	sadd.s32 $0x50, s24;
	s28 =	sadd.s32 $0x2C0, s5  }
0x2e2: {  	[tilespmem:s28], [sflag:$0x1] =	stream.linear.gather [hbm4b:s23+s4], $0x10, $0x38;
	[tilespmem:$0x10700] =	vst v63  }
.Ltmp39:
0x2e3: {  	_ = 	snop;
	(pc) =	sbr.rel .LBB2_65-.Ltmp39, $4  }
0x2e4: {  	s22 =	sadd.s32 $0x60, s24;
	s23 =	sadd.s32 $0x340, s5  }
0x2e5: {  	[tilespmem:s23], [sflag:$0x1] =	stream.linear.gather [hbm4b:s22+s4], $0x10, $0x38;
	[tilespmem:$0x10700] =	vst v63  }
0x2e6: {  	s28 =	sadd.s32 $0x70, s24;
	s5 =	sadd.s32 $0x3C0, s5  }
0x2e7: {  	[tilespmem:s5], [sflag:$0x1] =	stream.linear.gather [hbm4b:s28+s4], $0x10, $0x38;
	[tilespmem:$0x10700] =	vst v63  }
.LBB2_45:
0x2e8: {  	p0 =	seq.s32 s6, $0x6  }
.Ltmp40:
0x2e9: {  	_ = 	snop;
	(pc) =	sbr.rel @!p0 .LBB2_46-.Ltmp40, $1  }
0x2ea: {  	_ =	sdelay $0x3  }
0x2eb: {  	s22 =	sadd.s32 s5, s15;
	s23 =	sadd.s32 $0x40, s21  }
0x2ec: {  	[tilespmem:s23], [sflag:$0x1] =	stream.linear.gather [hbm4b:s22+s4], $0x10, $0x38;
	[tilespmem:$0x10700] =	vst v63  }
0x2ed: {  	s6 =	sadd.s32 $0xC0, s21;
	s24 =	sadd.s32 $0x10, s22  }
0x2ee: {  	[tilespmem:s6], [sflag:$0x1] =	stream.linear.gather [hbm4b:s24+s4], $0x10, $0x38;
	[tilespmem:$0x10700] =	vst v63  }
0x2ef: {  	s23 =	sadd.s32 $0x20, s22;
	s24 =	sadd.s32 $0x140, s21  }
0x2f0: {  	[tilespmem:s24], [sflag:$0x1] =	stream.linear.gather [hbm4b:s23+s4], $0x10, $0x38;
	[tilespmem:$0x10700] =	vst v63  }
0x2f1: {  	s23 =	sadd.s32 $0x30, s22;
	s24 =	sadd.s32 $0x1C0, s21  }
0x2f2: {  	[tilespmem:s24], [sflag:$0x1] =	stream.linear.gather [hbm4b:s23+s4], $0x10, $0x38;
	[tilespmem:$0x10700] =	vst v63  }
0x2f3: {  	s23 =	sadd.s32 $0x40, s22;
	s24 =	sadd.s32 $0x240, s21  }
0x2f4: {  	[tilespmem:s24], [sflag:$0x1] =	stream.linear.gather [hbm4b:s23+s4], $0x10, $0x38;
	[tilespmem:$0x10700] =	vst v63  }
0x2f5: {  	s28 =	simm.s32 $0x4000;
	s23 =	sadd.s32 $0x50, s22;
	s24 =	sadd.s32 $0x2C0, s21  }
0x2f6: {  	[tilespmem:s24], [sflag:$0x1] =	stream.linear.gather [hbm4b:s23+s4], $0x10, $0x38;
	[tilespmem:$0x10700] =	vst v63  }
0x2f7: {  	s5 =	simm.s32 $0x20000;
	s23 =	sadd.s32 $0x60, s22;
	s24 =	sadd.s32 $0x340, s21  }
0x2f8: {  	[tilespmem:s24], [sflag:$0x1] =	stream.linear.gather [hbm4b:s23+s4], $0x10, $0x38;
	[tilespmem:$0x10700] =	vst v63  }
0x2f9: {  	s6 =	sadd.s32 $0x70, s22;
	s21 =	sadd.s32 $0x3C0, s21;
	s24 =	sadd.s32 $0xF4280, s22  }
.LBB2_50:
0x2fa: {  	[tilespmem:s21], [sflag:$0x1] =	stream.linear.gather [hbm4b:s6+s4], $0x10, $0x38;
	[tilespmem:$0x10700] =	vst v63  }
0x2fb: {  	s6 =	smov.u32 s5  }
0x2fc: {  	s22 =	sadd.s32 $0x10000, s5;
	s21 =	sadd.s32 s28, s3;
	s28 =	sshra.s32 s6, $0x2  }
0x2fd: {  	p0 =	seq.s32 s5, $0x30000;
	s5 =	sadd.s32 $0x40, s21  }
0x2fe: {  	[tilespmem:s5], [sflag:$0x1] =	stream.linear.gather [hbm4b:s24+s4], $0x10, $0x38;
	[tilespmem:$0x10700] =	vst v63  }
0x2ff: {  	s6 =	sadd.s32 $0xC0, s21;
	s5 =	sadd.s32 $0x10, s24  }
0x300: {  	[tilespmem:s6], [sflag:$0x1] =	stream.linear.gather [hbm4b:s5+s4], $0x10, $0x38;
	[tilespmem:$0x10700] =	vst v63  }
0x301: {  	s5 =	sadd.s32 $0x20, s24;
	s6 =	sadd.s32 $0x140, s21  }
0x302: {  	[tilespmem:s6], [sflag:$0x1] =	stream.linear.gather [hbm4b:s5+s4], $0x10, $0x38;
	[tilespmem:$0x10700] =	vst v63  }
0x303: {  	s5 =	sadd.s32 $0x30, s24;
	s6 =	sadd.s32 $0x1C0, s21  }
0x304: {  	[tilespmem:s6], [sflag:$0x1] =	stream.linear.gather [hbm4b:s5+s4], $0x10, $0x38;
	[tilespmem:$0x10700] =	vst v63  }
0x305: {  	s5 =	sadd.s32 $0x40, s24;
	s6 =	sadd.s32 $0x240, s21  }
0x306: {  	[tilespmem:s6], [sflag:$0x1] =	stream.linear.gather [hbm4b:s5+s4], $0x10, $0x38;
	[tilespmem:$0x10700] =	vst v63  }
.Ltmp41:
0x307: {  	s5 =	sadd.s32 $0x50, s24;
	s6 =	sadd.s32 $0x2C0, s21;
	(pc) =	sbr.rel @!p0 .LBB2_50-.Ltmp41, $4  }
0x308: {  	[tilespmem:s6], [sflag:$0x1] =	stream.linear.gather [hbm4b:s5+s4], $0x10, $0x38;
	[tilespmem:$0x10700] =	vst v63  }
0x309: {  	s5 =	sadd.s32 $0x60, s24;
	s6 =	sadd.s32 $0x340, s21;
	s21 =	sadd.s32 $0x3C0, s21  }
0x30a: {  	[tilespmem:s6], [sflag:$0x1] =	stream.linear.gather [hbm4b:s5+s4], $0x10, $0x38;
	[tilespmem:$0x10700] =	vst v63  }
0x30b: {  	s6 =	sadd.s32 $0x70, s24;
	s24 =	sadd.s32 $0xF4280, s24;
	s5 =	smov.u32 s22  }
0x30c: {  	[tilespmem:s21], [sflag:$0x1] =	stream.linear.gather [hbm4b:s6+s4], $0x10, $0x38;
	[tilespmem:$0x10700] =	vst v63  }
0x30d: {  	s5 =	sadd.s32 s28, s3  }
0x30e: {  	s22 =	sadd.s32 $0x40, s5  }
0x30f: {  	[tilespmem:s22], [sflag:$0x1] =	stream.linear.gather [hbm4b:s24+s4], $0x10, $0x38;
	[tilespmem:$0x10700] =	vst v63  }
0x310: {  	s23 =	sadd.s32 $0x10, s24;
	s28 =	sadd.s32 $0xC0, s5  }
0x311: {  	[tilespmem:s28], [sflag:$0x1] =	stream.linear.gather [hbm4b:s23+s4], $0x10, $0x38;
	[tilespmem:$0x10700] =	vst v63  }
0x312: {  	s21 =	sadd.s32 $0x20, s24;
	s22 =	sadd.s32 $0x140, s5  }
0x313: {  	[tilespmem:s22], [sflag:$0x1] =	stream.linear.gather [hbm4b:s21+s4], $0x10, $0x38;
	[tilespmem:$0x10700] =	vst v63  }
0x314: {  	s23 =	sadd.s32 $0x30, s24;
	s28 =	sadd.s32 $0x1C0, s5  }
0x315: {  	[tilespmem:s28], [sflag:$0x1] =	stream.linear.gather [hbm4b:s23+s4], $0x10, $0x38;
	[tilespmem:$0x10700] =	vst v63  }
0x316: {  	s21 =	sadd.s32 $0x40, s24;
	s22 =	sadd.s32 $0x240, s5  }
0x317: {  	[tilespmem:s22], [sflag:$0x1] =	stream.linear.gather [hbm4b:s21+s4], $0x10, $0x38;
	[tilespmem:$0x10700] =	vst v63  }
0x318: {  	s23 =	sadd.s32 $0x50, s24;
	s28 =	sadd.s32 $0x2C0, s5  }
0x319: {  	[tilespmem:s28], [sflag:$0x1] =	stream.linear.gather [hbm4b:s23+s4], $0x10, $0x38;
	[tilespmem:$0x10700] =	vst v63  }
.Ltmp42:
0x31a: {  	_ = 	snop;
	(pc) =	sbr.rel .LBB2_65-.Ltmp42, $4  }
0x31b: {  	s22 =	sadd.s32 $0x60, s24;
	s23 =	sadd.s32 $0x340, s5  }
0x31c: {  	[tilespmem:s23], [sflag:$0x1] =	stream.linear.gather [hbm4b:s22+s4], $0x10, $0x38;
	[tilespmem:$0x10700] =	vst v63  }
0x31d: {  	s28 =	sadd.s32 $0x70, s24;
	s5 =	sadd.s32 $0x3C0, s5  }
0x31e: {  	[tilespmem:s5], [sflag:$0x1] =	stream.linear.gather [hbm4b:s28+s4], $0x10, $0x38;
	[tilespmem:$0x10700] =	vst v63  }
.LBB2_37:
0x31f: {  	s22 =	sadd.s32 s5, s20;
	s23 =	sadd.s32 $0x40, s21  }
0x320: {  	[tilespmem:s23], [sflag:$0x1] =	stream.linear.gather [hbm4b:s22+s4], $0x10, $0x38;
	[tilespmem:$0x10700] =	vst v63  }
0x321: {  	s6 =	sadd.s32 $0xC0, s21;
	s24 =	sadd.s32 $0x10, s22  }
0x322: {  	[tilespmem:s6], [sflag:$0x1] =	stream.linear.gather [hbm4b:s24+s4], $0x10, $0x38;
	[tilespmem:$0x10700] =	vst v63  }
0x323: {  	s23 =	sadd.s32 $0x20, s22;
	s24 =	sadd.s32 $0x140, s21  }
0x324: {  	[tilespmem:s24], [sflag:$0x1] =	stream.linear.gather [hbm4b:s23+s4], $0x10, $0x38;
	[tilespmem:$0x10700] =	vst v63  }
0x325: {  	s23 =	sadd.s32 $0x30, s22;
	s24 =	sadd.s32 $0x1C0, s21  }
0x326: {  	[tilespmem:s24], [sflag:$0x1] =	stream.linear.gather [hbm4b:s23+s4], $0x10, $0x38;
	[tilespmem:$0x10700] =	vst v63  }
0x327: {  	s23 =	sadd.s32 $0x40, s22;
	s24 =	sadd.s32 $0x240, s21  }
0x328: {  	[tilespmem:s24], [sflag:$0x1] =	stream.linear.gather [hbm4b:s23+s4], $0x10, $0x38;
	[tilespmem:$0x10700] =	vst v63  }
0x329: {  	s28 =	simm.s32 $0x4000;
	s23 =	sadd.s32 $0x50, s22;
	s24 =	sadd.s32 $0x2C0, s21  }
0x32a: {  	[tilespmem:s24], [sflag:$0x1] =	stream.linear.gather [hbm4b:s23+s4], $0x10, $0x38;
	[tilespmem:$0x10700] =	vst v63  }
0x32b: {  	s5 =	simm.s32 $0x20000;
	s23 =	sadd.s32 $0x60, s22;
	s24 =	sadd.s32 $0x340, s21  }
0x32c: {  	[tilespmem:s24], [sflag:$0x1] =	stream.linear.gather [hbm4b:s23+s4], $0x10, $0x38;
	[tilespmem:$0x10700] =	vst v63  }
0x32d: {  	s6 =	sadd.s32 $0x70, s22;
	s21 =	sadd.s32 $0x3C0, s21;
	s24 =	sadd.s32 $0xF4280, s22  }
.LBB2_38:
0x32e: {  	[tilespmem:s21], [sflag:$0x1] =	stream.linear.gather [hbm4b:s6+s4], $0x10, $0x38;
	[tilespmem:$0x10700] =	vst v63  }
0x32f: {  	s6 =	smov.u32 s5  }
0x330: {  	s22 =	sadd.s32 $0x10000, s5;
	s21 =	sadd.s32 s28, s3;
	s28 =	sshra.s32 s6, $0x2  }
0x331: {  	p0 =	seq.s32 s5, $0x30000;
	s5 =	sadd.s32 $0x40, s21  }
0x332: {  	[tilespmem:s5], [sflag:$0x1] =	stream.linear.gather [hbm4b:s24+s4], $0x10, $0x38;
	[tilespmem:$0x10700] =	vst v63  }
0x333: {  	s6 =	sadd.s32 $0xC0, s21;
	s5 =	sadd.s32 $0x10, s24  }
0x334: {  	[tilespmem:s6], [sflag:$0x1] =	stream.linear.gather [hbm4b:s5+s4], $0x10, $0x38;
	[tilespmem:$0x10700] =	vst v63  }
0x335: {  	s5 =	sadd.s32 $0x20, s24;
	s6 =	sadd.s32 $0x140, s21  }
0x336: {  	[tilespmem:s6], [sflag:$0x1] =	stream.linear.gather [hbm4b:s5+s4], $0x10, $0x38;
	[tilespmem:$0x10700] =	vst v63  }
0x337: {  	s5 =	sadd.s32 $0x30, s24;
	s6 =	sadd.s32 $0x1C0, s21  }
0x338: {  	[tilespmem:s6], [sflag:$0x1] =	stream.linear.gather [hbm4b:s5+s4], $0x10, $0x38;
	[tilespmem:$0x10700] =	vst v63  }
0x339: {  	s5 =	sadd.s32 $0x40, s24;
	s6 =	sadd.s32 $0x240, s21  }
0x33a: {  	[tilespmem:s6], [sflag:$0x1] =	stream.linear.gather [hbm4b:s5+s4], $0x10, $0x38;
	[tilespmem:$0x10700] =	vst v63  }
.Ltmp43:
0x33b: {  	s5 =	sadd.s32 $0x50, s24;
	s6 =	sadd.s32 $0x2C0, s21;
	(pc) =	sbr.rel @!p0 .LBB2_38-.Ltmp43, $4  }
0x33c: {  	[tilespmem:s6], [sflag:$0x1] =	stream.linear.gather [hbm4b:s5+s4], $0x10, $0x38;
	[tilespmem:$0x10700] =	vst v63  }
0x33d: {  	s5 =	sadd.s32 $0x60, s24;
	s6 =	sadd.s32 $0x340, s21;
	s21 =	sadd.s32 $0x3C0, s21  }
0x33e: {  	[tilespmem:s6], [sflag:$0x1] =	stream.linear.gather [hbm4b:s5+s4], $0x10, $0x38;
	[tilespmem:$0x10700] =	vst v63  }
0x33f: {  	s6 =	sadd.s32 $0x70, s24;
	s24 =	sadd.s32 $0xF4280, s24;
	s5 =	smov.u32 s22  }
0x340: {  	[tilespmem:s21], [sflag:$0x1] =	stream.linear.gather [hbm4b:s6+s4], $0x10, $0x38;
	[tilespmem:$0x10700] =	vst v63  }
0x341: {  	s5 =	sadd.s32 s28, s3  }
0x342: {  	s22 =	sadd.s32 $0x40, s5  }
0x343: {  	[tilespmem:s22], [sflag:$0x1] =	stream.linear.gather [hbm4b:s24+s4], $0x10, $0x38;
	[tilespmem:$0x10700] =	vst v63  }
0x344: {  	s23 =	sadd.s32 $0x10, s24;
	s28 =	sadd.s32 $0xC0, s5  }
0x345: {  	[tilespmem:s28], [sflag:$0x1] =	stream.linear.gather [hbm4b:s23+s4], $0x10, $0x38;
	[tilespmem:$0x10700] =	vst v63  }
0x346: {  	s21 =	sadd.s32 $0x20, s24;
	s22 =	sadd.s32 $0x140, s5  }
0x347: {  	[tilespmem:s22], [sflag:$0x1] =	stream.linear.gather [hbm4b:s21+s4], $0x10, $0x38;
	[tilespmem:$0x10700] =	vst v63  }
0x348: {  	s23 =	sadd.s32 $0x30, s24;
	s28 =	sadd.s32 $0x1C0, s5  }
0x349: {  	[tilespmem:s28], [sflag:$0x1] =	stream.linear.gather [hbm4b:s23+s4], $0x10, $0x38;
	[tilespmem:$0x10700] =	vst v63  }
0x34a: {  	s21 =	sadd.s32 $0x40, s24;
	s22 =	sadd.s32 $0x240, s5  }
0x34b: {  	[tilespmem:s22], [sflag:$0x1] =	stream.linear.gather [hbm4b:s21+s4], $0x10, $0x38;
	[tilespmem:$0x10700] =	vst v63  }
0x34c: {  	s23 =	sadd.s32 $0x50, s24;
	s28 =	sadd.s32 $0x2C0, s5  }
0x34d: {  	[tilespmem:s28], [sflag:$0x1] =	stream.linear.gather [hbm4b:s23+s4], $0x10, $0x38;
	[tilespmem:$0x10700] =	vst v63  }
.Ltmp44:
0x34e: {  	_ = 	snop;
	(pc) =	sbr.rel .LBB2_65-.Ltmp44, $4  }
0x34f: {  	s22 =	sadd.s32 $0x60, s24;
	s23 =	sadd.s32 $0x340, s5  }
0x350: {  	[tilespmem:s23], [sflag:$0x1] =	stream.linear.gather [hbm4b:s22+s4], $0x10, $0x38;
	[tilespmem:$0x10700] =	vst v63  }
0x351: {  	s28 =	sadd.s32 $0x70, s24;
	s5 =	sadd.s32 $0x3C0, s5  }
0x352: {  	[tilespmem:s5], [sflag:$0x1] =	stream.linear.gather [hbm4b:s28+s4], $0x10, $0x38;
	[tilespmem:$0x10700] =	vst v63  }
.LBB2_42:
0x353: {  	s22 =	sadd.s32 s5, s16;
	s23 =	sadd.s32 $0x40, s21  }
0x354: {  	[tilespmem:s23], [sflag:$0x1] =	stream.linear.gather [hbm4b:s22+s4], $0x10, $0x38;
	[tilespmem:$0x10700] =	vst v63  }
0x355: {  	s6 =	sadd.s32 $0xC0, s21;
	s24 =	sadd.s32 $0x10, s22  }
0x356: {  	[tilespmem:s6], [sflag:$0x1] =	stream.linear.gather [hbm4b:s24+s4], $0x10, $0x38;
	[tilespmem:$0x10700] =	vst v63  }
0x357: {  	s23 =	sadd.s32 $0x20, s22;
	s24 =	sadd.s32 $0x140, s21  }
0x358: {  	[tilespmem:s24], [sflag:$0x1] =	stream.linear.gather [hbm4b:s23+s4], $0x10, $0x38;
	[tilespmem:$0x10700] =	vst v63  }
0x359: {  	s23 =	sadd.s32 $0x30, s22;
	s24 =	sadd.s32 $0x1C0, s21  }
0x35a: {  	[tilespmem:s24], [sflag:$0x1] =	stream.linear.gather [hbm4b:s23+s4], $0x10, $0x38;
	[tilespmem:$0x10700] =	vst v63  }
0x35b: {  	s23 =	sadd.s32 $0x40, s22;
	s24 =	sadd.s32 $0x240, s21  }
0x35c: {  	[tilespmem:s24], [sflag:$0x1] =	stream.linear.gather [hbm4b:s23+s4], $0x10, $0x38;
	[tilespmem:$0x10700] =	vst v63  }
0x35d: {  	s28 =	simm.s32 $0x4000;
	s23 =	sadd.s32 $0x50, s22;
	s24 =	sadd.s32 $0x2C0, s21  }
0x35e: {  	[tilespmem:s24], [sflag:$0x1] =	stream.linear.gather [hbm4b:s23+s4], $0x10, $0x38;
	[tilespmem:$0x10700] =	vst v63  }
0x35f: {  	s5 =	simm.s32 $0x20000;
	s23 =	sadd.s32 $0x60, s22;
	s24 =	sadd.s32 $0x340, s21  }
0x360: {  	[tilespmem:s24], [sflag:$0x1] =	stream.linear.gather [hbm4b:s23+s4], $0x10, $0x38;
	[tilespmem:$0x10700] =	vst v63  }
0x361: {  	s6 =	sadd.s32 $0x70, s22;
	s21 =	sadd.s32 $0x3C0, s21;
	s24 =	sadd.s32 $0xF4280, s22  }
.LBB2_43:
0x362: {  	[tilespmem:s21], [sflag:$0x1] =	stream.linear.gather [hbm4b:s6+s4], $0x10, $0x38;
	[tilespmem:$0x10700] =	vst v63  }
0x363: {  	s6 =	smov.u32 s5  }
0x364: {  	s22 =	sadd.s32 $0x10000, s5;
	s21 =	sadd.s32 s28, s3;
	s28 =	sshra.s32 s6, $0x2  }
0x365: {  	p0 =	seq.s32 s5, $0x30000;
	s5 =	sadd.s32 $0x40, s21  }
0x366: {  	[tilespmem:s5], [sflag:$0x1] =	stream.linear.gather [hbm4b:s24+s4], $0x10, $0x38;
	[tilespmem:$0x10700] =	vst v63  }
0x367: {  	s6 =	sadd.s32 $0xC0, s21;
	s5 =	sadd.s32 $0x10, s24  }
0x368: {  	[tilespmem:s6], [sflag:$0x1] =	stream.linear.gather [hbm4b:s5+s4], $0x10, $0x38;
	[tilespmem:$0x10700] =	vst v63  }
0x369: {  	s5 =	sadd.s32 $0x20, s24;
	s6 =	sadd.s32 $0x140, s21  }
0x36a: {  	[tilespmem:s6], [sflag:$0x1] =	stream.linear.gather [hbm4b:s5+s4], $0x10, $0x38;
	[tilespmem:$0x10700] =	vst v63  }
0x36b: {  	s5 =	sadd.s32 $0x30, s24;
	s6 =	sadd.s32 $0x1C0, s21  }
0x36c: {  	[tilespmem:s6], [sflag:$0x1] =	stream.linear.gather [hbm4b:s5+s4], $0x10, $0x38;
	[tilespmem:$0x10700] =	vst v63  }
0x36d: {  	s5 =	sadd.s32 $0x40, s24;
	s6 =	sadd.s32 $0x240, s21  }
0x36e: {  	[tilespmem:s6], [sflag:$0x1] =	stream.linear.gather [hbm4b:s5+s4], $0x10, $0x38;
	[tilespmem:$0x10700] =	vst v63  }
.Ltmp45:
0x36f: {  	s5 =	sadd.s32 $0x50, s24;
	s6 =	sadd.s32 $0x2C0, s21;
	(pc) =	sbr.rel @!p0 .LBB2_43-.Ltmp45, $4  }
0x370: {  	[tilespmem:s6], [sflag:$0x1] =	stream.linear.gather [hbm4b:s5+s4], $0x10, $0x38;
	[tilespmem:$0x10700] =	vst v63  }
0x371: {  	s5 =	sadd.s32 $0x60, s24;
	s6 =	sadd.s32 $0x340, s21;
	s21 =	sadd.s32 $0x3C0, s21  }
0x372: {  	[tilespmem:s6], [sflag:$0x1] =	stream.linear.gather [hbm4b:s5+s4], $0x10, $0x38;
	[tilespmem:$0x10700] =	vst v63  }
0x373: {  	s6 =	sadd.s32 $0x70, s24;
	s24 =	sadd.s32 $0xF4280, s24;
	s5 =	smov.u32 s22  }
0x374: {  	[tilespmem:s21], [sflag:$0x1] =	stream.linear.gather [hbm4b:s6+s4], $0x10, $0x38;
	[tilespmem:$0x10700] =	vst v63  }
0x375: {  	s5 =	sadd.s32 s28, s3  }
0x376: {  	s22 =	sadd.s32 $0x40, s5  }
0x377: {  	[tilespmem:s22], [sflag:$0x1] =	stream.linear.gather [hbm4b:s24+s4], $0x10, $0x38;
	[tilespmem:$0x10700] =	vst v63  }
0x378: {  	s23 =	sadd.s32 $0x10, s24;
	s28 =	sadd.s32 $0xC0, s5  }
0x379: {  	[tilespmem:s28], [sflag:$0x1] =	stream.linear.gather [hbm4b:s23+s4], $0x10, $0x38;
	[tilespmem:$0x10700] =	vst v63  }
0x37a: {  	s21 =	sadd.s32 $0x20, s24;
	s22 =	sadd.s32 $0x140, s5  }
0x37b: {  	[tilespmem:s22], [sflag:$0x1] =	stream.linear.gather [hbm4b:s21+s4], $0x10, $0x38;
	[tilespmem:$0x10700] =	vst v63  }
0x37c: {  	s23 =	sadd.s32 $0x30, s24;
	s28 =	sadd.s32 $0x1C0, s5  }
0x37d: {  	[tilespmem:s28], [sflag:$0x1] =	stream.linear.gather [hbm4b:s23+s4], $0x10, $0x38;
	[tilespmem:$0x10700] =	vst v63  }
0x37e: {  	s21 =	sadd.s32 $0x40, s24;
	s22 =	sadd.s32 $0x240, s5  }
0x37f: {  	[tilespmem:s22], [sflag:$0x1] =	stream.linear.gather [hbm4b:s21+s4], $0x10, $0x38;
	[tilespmem:$0x10700] =	vst v63  }
0x380: {  	s23 =	sadd.s32 $0x50, s24;
	s28 =	sadd.s32 $0x2C0, s5  }
0x381: {  	[tilespmem:s28], [sflag:$0x1] =	stream.linear.gather [hbm4b:s23+s4], $0x10, $0x38;
	[tilespmem:$0x10700] =	vst v63  }
.Ltmp46:
0x382: {  	_ = 	snop;
	(pc) =	sbr.rel .LBB2_65-.Ltmp46, $4  }
0x383: {  	s22 =	sadd.s32 $0x60, s24;
	s23 =	sadd.s32 $0x340, s5  }
0x384: {  	[tilespmem:s23], [sflag:$0x1] =	stream.linear.gather [hbm4b:s22+s4], $0x10, $0x38;
	[tilespmem:$0x10700] =	vst v63  }
0x385: {  	s28 =	sadd.s32 $0x70, s24;
	s5 =	sadd.s32 $0x3C0, s5  }
0x386: {  	[tilespmem:s5], [sflag:$0x1] =	stream.linear.gather [hbm4b:s28+s4], $0x10, $0x38;
	[tilespmem:$0x10700] =	vst v63  }
.LBB2_56:
0x387: {  	s22 =	sadd.s32 s5, s18;
	s23 =	sadd.s32 $0x40, s21  }
0x388: {  	[tilespmem:s23], [sflag:$0x1] =	stream.linear.gather [hbm4b:s22+s4], $0x10, $0x38;
	[tilespmem:$0x10700] =	vst v63  }
0x389: {  	s6 =	sadd.s32 $0xC0, s21;
	s24 =	sadd.s32 $0x10, s22  }
0x38a: {  	[tilespmem:s6], [sflag:$0x1] =	stream.linear.gather [hbm4b:s24+s4], $0x10, $0x38;
	[tilespmem:$0x10700] =	vst v63  }
0x38b: {  	s23 =	sadd.s32 $0x20, s22;
	s24 =	sadd.s32 $0x140, s21  }
0x38c: {  	[tilespmem:s24], [sflag:$0x1] =	stream.linear.gather [hbm4b:s23+s4], $0x10, $0x38;
	[tilespmem:$0x10700] =	vst v63  }
0x38d: {  	s23 =	sadd.s32 $0x30, s22;
	s24 =	sadd.s32 $0x1C0, s21  }
0x38e: {  	[tilespmem:s24], [sflag:$0x1] =	stream.linear.gather [hbm4b:s23+s4], $0x10, $0x38;
	[tilespmem:$0x10700] =	vst v63  }
0x38f: {  	s23 =	sadd.s32 $0x40, s22;
	s24 =	sadd.s32 $0x240, s21  }
0x390: {  	[tilespmem:s24], [sflag:$0x1] =	stream.linear.gather [hbm4b:s23+s4], $0x10, $0x38;
	[tilespmem:$0x10700] =	vst v63  }
0x391: {  	s28 =	simm.s32 $0x4000;
	s23 =	sadd.s32 $0x50, s22;
	s24 =	sadd.s32 $0x2C0, s21  }
0x392: {  	[tilespmem:s24], [sflag:$0x1] =	stream.linear.gather [hbm4b:s23+s4], $0x10, $0x38;
	[tilespmem:$0x10700] =	vst v63  }
0x393: {  	s5 =	simm.s32 $0x20000;
	s23 =	sadd.s32 $0x60, s22;
	s24 =	sadd.s32 $0x340, s21  }
0x394: {  	[tilespmem:s24], [sflag:$0x1] =	stream.linear.gather [hbm4b:s23+s4], $0x10, $0x38;
	[tilespmem:$0x10700] =	vst v63  }
0x395: {  	s6 =	sadd.s32 $0x70, s22;
	s21 =	sadd.s32 $0x3C0, s21;
	s24 =	sadd.s32 $0xF4280, s22  }
.LBB2_57:
0x396: {  	[tilespmem:s21], [sflag:$0x1] =	stream.linear.gather [hbm4b:s6+s4], $0x10, $0x38;
	[tilespmem:$0x10700] =	vst v63  }
0x397: {  	s6 =	smov.u32 s5  }
0x398: {  	s22 =	sadd.s32 $0x10000, s5;
	s21 =	sadd.s32 s28, s3;
	s28 =	sshra.s32 s6, $0x2  }
0x399: {  	p0 =	seq.s32 s5, $0x30000;
	s5 =	sadd.s32 $0x40, s21  }
0x39a: {  	[tilespmem:s5], [sflag:$0x1] =	stream.linear.gather [hbm4b:s24+s4], $0x10, $0x38;
	[tilespmem:$0x10700] =	vst v63  }
0x39b: {  	s6 =	sadd.s32 $0xC0, s21;
	s5 =	sadd.s32 $0x10, s24  }
0x39c: {  	[tilespmem:s6], [sflag:$0x1] =	stream.linear.gather [hbm4b:s5+s4], $0x10, $0x38;
	[tilespmem:$0x10700] =	vst v63  }
0x39d: {  	s5 =	sadd.s32 $0x20, s24;
	s6 =	sadd.s32 $0x140, s21  }
0x39e: {  	[tilespmem:s6], [sflag:$0x1] =	stream.linear.gather [hbm4b:s5+s4], $0x10, $0x38;
	[tilespmem:$0x10700] =	vst v63  }
0x39f: {  	s5 =	sadd.s32 $0x30, s24;
	s6 =	sadd.s32 $0x1C0, s21  }
0x3a0: {  	[tilespmem:s6], [sflag:$0x1] =	stream.linear.gather [hbm4b:s5+s4], $0x10, $0x38;
	[tilespmem:$0x10700] =	vst v63  }
0x3a1: {  	s5 =	sadd.s32 $0x40, s24;
	s6 =	sadd.s32 $0x240, s21  }
0x3a2: {  	[tilespmem:s6], [sflag:$0x1] =	stream.linear.gather [hbm4b:s5+s4], $0x10, $0x38;
	[tilespmem:$0x10700] =	vst v63  }
.Ltmp47:
0x3a3: {  	s5 =	sadd.s32 $0x50, s24;
	s6 =	sadd.s32 $0x2C0, s21;
	(pc) =	sbr.rel @!p0 .LBB2_57-.Ltmp47, $4  }
0x3a4: {  	[tilespmem:s6], [sflag:$0x1] =	stream.linear.gather [hbm4b:s5+s4], $0x10, $0x38;
	[tilespmem:$0x10700] =	vst v63  }
0x3a5: {  	s5 =	sadd.s32 $0x60, s24;
	s6 =	sadd.s32 $0x340, s21;
	s21 =	sadd.s32 $0x3C0, s21  }
0x3a6: {  	[tilespmem:s6], [sflag:$0x1] =	stream.linear.gather [hbm4b:s5+s4], $0x10, $0x38;
	[tilespmem:$0x10700] =	vst v63  }
0x3a7: {  	s6 =	sadd.s32 $0x70, s24;
	s24 =	sadd.s32 $0xF4280, s24;
	s5 =	smov.u32 s22  }
0x3a8: {  	[tilespmem:s21], [sflag:$0x1] =	stream.linear.gather [hbm4b:s6+s4], $0x10, $0x38;
	[tilespmem:$0x10700] =	vst v63  }
0x3a9: {  	s5 =	sadd.s32 s28, s3  }
0x3aa: {  	s22 =	sadd.s32 $0x40, s5  }
0x3ab: {  	[tilespmem:s22], [sflag:$0x1] =	stream.linear.gather [hbm4b:s24+s4], $0x10, $0x38;
	[tilespmem:$0x10700] =	vst v63  }
0x3ac: {  	s23 =	sadd.s32 $0x10, s24;
	s28 =	sadd.s32 $0xC0, s5  }
0x3ad: {  	[tilespmem:s28], [sflag:$0x1] =	stream.linear.gather [hbm4b:s23+s4], $0x10, $0x38;
	[tilespmem:$0x10700] =	vst v63  }
0x3ae: {  	s21 =	sadd.s32 $0x20, s24;
	s22 =	sadd.s32 $0x140, s5  }
0x3af: {  	[tilespmem:s22], [sflag:$0x1] =	stream.linear.gather [hbm4b:s21+s4], $0x10, $0x38;
	[tilespmem:$0x10700] =	vst v63  }
0x3b0: {  	s23 =	sadd.s32 $0x30, s24;
	s28 =	sadd.s32 $0x1C0, s5  }
0x3b1: {  	[tilespmem:s28], [sflag:$0x1] =	stream.linear.gather [hbm4b:s23+s4], $0x10, $0x38;
	[tilespmem:$0x10700] =	vst v63  }
0x3b2: {  	s21 =	sadd.s32 $0x40, s24;
	s22 =	sadd.s32 $0x240, s5  }
0x3b3: {  	[tilespmem:s22], [sflag:$0x1] =	stream.linear.gather [hbm4b:s21+s4], $0x10, $0x38;
	[tilespmem:$0x10700] =	vst v63  }
0x3b4: {  	s23 =	sadd.s32 $0x50, s24;
	s28 =	sadd.s32 $0x2C0, s5  }
0x3b5: {  	[tilespmem:s28], [sflag:$0x1] =	stream.linear.gather [hbm4b:s23+s4], $0x10, $0x38;
	[tilespmem:$0x10700] =	vst v63  }
.Ltmp48:
0x3b6: {  	_ = 	snop;
	(pc) =	sbr.rel .LBB2_65-.Ltmp48, $4  }
0x3b7: {  	s22 =	sadd.s32 $0x60, s24;
	s23 =	sadd.s32 $0x340, s5  }
0x3b8: {  	[tilespmem:s23], [sflag:$0x1] =	stream.linear.gather [hbm4b:s22+s4], $0x10, $0x38;
	[tilespmem:$0x10700] =	vst v63  }
0x3b9: {  	s28 =	sadd.s32 $0x70, s24;
	s5 =	sadd.s32 $0x3C0, s5  }
0x3ba: {  	[tilespmem:s5], [sflag:$0x1] =	stream.linear.gather [hbm4b:s28+s4], $0x10, $0x38;
	[tilespmem:$0x10700] =	vst v63  }
.LBB2_46:
0x3bb: {  	s22 =	sadd.s32 s5, s14;
	s23 =	sadd.s32 $0x40, s21  }
0x3bc: {  	[tilespmem:s23], [sflag:$0x1] =	stream.linear.gather [hbm4b:s22+s4], $0x10, $0x38;
	[tilespmem:$0x10700] =	vst v63  }
0x3bd: {  	s6 =	sadd.s32 $0xC0, s21;
	s24 =	sadd.s32 $0x10, s22  }
0x3be: {  	[tilespmem:s6], [sflag:$0x1] =	stream.linear.gather [hbm4b:s24+s4], $0x10, $0x38;
	[tilespmem:$0x10700] =	vst v63  }
0x3bf: {  	s23 =	sadd.s32 $0x20, s22;
	s24 =	sadd.s32 $0x140, s21  }
0x3c0: {  	[tilespmem:s24], [sflag:$0x1] =	stream.linear.gather [hbm4b:s23+s4], $0x10, $0x38;
	[tilespmem:$0x10700] =	vst v63  }
0x3c1: {  	s23 =	sadd.s32 $0x30, s22;
	s24 =	sadd.s32 $0x1C0, s21  }
0x3c2: {  	[tilespmem:s24], [sflag:$0x1] =	stream.linear.gather [hbm4b:s23+s4], $0x10, $0x38;
	[tilespmem:$0x10700] =	vst v63  }
0x3c3: {  	s23 =	sadd.s32 $0x40, s22;
	s24 =	sadd.s32 $0x240, s21  }
0x3c4: {  	[tilespmem:s24], [sflag:$0x1] =	stream.linear.gather [hbm4b:s23+s4], $0x10, $0x38;
	[tilespmem:$0x10700] =	vst v63  }
0x3c5: {  	s28 =	simm.s32 $0x4000;
	s23 =	sadd.s32 $0x50, s22;
	s24 =	sadd.s32 $0x2C0, s21  }
0x3c6: {  	[tilespmem:s24], [sflag:$0x1] =	stream.linear.gather [hbm4b:s23+s4], $0x10, $0x38;
	[tilespmem:$0x10700] =	vst v63  }
0x3c7: {  	s5 =	simm.s32 $0x20000;
	s23 =	sadd.s32 $0x60, s22;
	s24 =	sadd.s32 $0x340, s21  }
0x3c8: {  	[tilespmem:s24], [sflag:$0x1] =	stream.linear.gather [hbm4b:s23+s4], $0x10, $0x38;
	[tilespmem:$0x10700] =	vst v63  }
0x3c9: {  	s6 =	sadd.s32 $0x70, s22;
	s21 =	sadd.s32 $0x3C0, s21;
	s24 =	sadd.s32 $0xF4280, s22  }
.LBB2_47:
0x3ca: {  	[tilespmem:s21], [sflag:$0x1] =	stream.linear.gather [hbm4b:s6+s4], $0x10, $0x38;
	[tilespmem:$0x10700] =	vst v63  }
0x3cb: {  	s6 =	smov.u32 s5  }
0x3cc: {  	s22 =	sadd.s32 $0x10000, s5;
	s21 =	sadd.s32 s28, s3;
	s28 =	sshra.s32 s6, $0x2  }
0x3cd: {  	p0 =	seq.s32 s5, $0x30000;
	s5 =	sadd.s32 $0x40, s21  }
0x3ce: {  	[tilespmem:s5], [sflag:$0x1] =	stream.linear.gather [hbm4b:s24+s4], $0x10, $0x38;
	[tilespmem:$0x10700] =	vst v63  }
0x3cf: {  	s6 =	sadd.s32 $0xC0, s21;
	s5 =	sadd.s32 $0x10, s24  }
0x3d0: {  	[tilespmem:s6], [sflag:$0x1] =	stream.linear.gather [hbm4b:s5+s4], $0x10, $0x38;
	[tilespmem:$0x10700] =	vst v63  }
0x3d1: {  	s5 =	sadd.s32 $0x20, s24;
	s6 =	sadd.s32 $0x140, s21  }
0x3d2: {  	[tilespmem:s6], [sflag:$0x1] =	stream.linear.gather [hbm4b:s5+s4], $0x10, $0x38;
	[tilespmem:$0x10700] =	vst v63  }
0x3d3: {  	s5 =	sadd.s32 $0x30, s24;
	s6 =	sadd.s32 $0x1C0, s21  }
0x3d4: {  	[tilespmem:s6], [sflag:$0x1] =	stream.linear.gather [hbm4b:s5+s4], $0x10, $0x38;
	[tilespmem:$0x10700] =	vst v63  }
0x3d5: {  	s5 =	sadd.s32 $0x40, s24;
	s6 =	sadd.s32 $0x240, s21  }
0x3d6: {  	[tilespmem:s6], [sflag:$0x1] =	stream.linear.gather [hbm4b:s5+s4], $0x10, $0x38;
	[tilespmem:$0x10700] =	vst v63  }
.Ltmp49:
0x3d7: {  	s5 =	sadd.s32 $0x50, s24;
	s6 =	sadd.s32 $0x2C0, s21;
	(pc) =	sbr.rel @!p0 .LBB2_47-.Ltmp49, $4  }
0x3d8: {  	[tilespmem:s6], [sflag:$0x1] =	stream.linear.gather [hbm4b:s5+s4], $0x10, $0x38;
	[tilespmem:$0x10700] =	vst v63  }
0x3d9: {  	s5 =	sadd.s32 $0x60, s24;
	s6 =	sadd.s32 $0x340, s21;
	s21 =	sadd.s32 $0x3C0, s21  }
0x3da: {  	[tilespmem:s6], [sflag:$0x1] =	stream.linear.gather [hbm4b:s5+s4], $0x10, $0x38;
	[tilespmem:$0x10700] =	vst v63  }
0x3db: {  	s6 =	sadd.s32 $0x70, s24;
	s24 =	sadd.s32 $0xF4280, s24;
	s5 =	smov.u32 s22  }
0x3dc: {  	[tilespmem:s21], [sflag:$0x1] =	stream.linear.gather [hbm4b:s6+s4], $0x10, $0x38;
	[tilespmem:$0x10700] =	vst v63  }
0x3dd: {  	s5 =	sadd.s32 s28, s3  }
0x3de: {  	s22 =	sadd.s32 $0x40, s5  }
0x3df: {  	[tilespmem:s22], [sflag:$0x1] =	stream.linear.gather [hbm4b:s24+s4], $0x10, $0x38;
	[tilespmem:$0x10700] =	vst v63  }
0x3e0: {  	s23 =	sadd.s32 $0x10, s24;
	s28 =	sadd.s32 $0xC0, s5  }
0x3e1: {  	[tilespmem:s28], [sflag:$0x1] =	stream.linear.gather [hbm4b:s23+s4], $0x10, $0x38;
	[tilespmem:$0x10700] =	vst v63  }
0x3e2: {  	s21 =	sadd.s32 $0x20, s24;
	s22 =	sadd.s32 $0x140, s5  }
0x3e3: {  	[tilespmem:s22], [sflag:$0x1] =	stream.linear.gather [hbm4b:s21+s4], $0x10, $0x38;
	[tilespmem:$0x10700] =	vst v63  }
0x3e4: {  	s23 =	sadd.s32 $0x30, s24;
	s28 =	sadd.s32 $0x1C0, s5  }
0x3e5: {  	[tilespmem:s28], [sflag:$0x1] =	stream.linear.gather [hbm4b:s23+s4], $0x10, $0x38;
	[tilespmem:$0x10700] =	vst v63  }
0x3e6: {  	s21 =	sadd.s32 $0x40, s24;
	s22 =	sadd.s32 $0x240, s5  }
0x3e7: {  	[tilespmem:s22], [sflag:$0x1] =	stream.linear.gather [hbm4b:s21+s4], $0x10, $0x38;
	[tilespmem:$0x10700] =	vst v63  }
0x3e8: {  	s23 =	sadd.s32 $0x50, s24;
	s28 =	sadd.s32 $0x2C0, s5  }
0x3e9: {  	[tilespmem:s28], [sflag:$0x1] =	stream.linear.gather [hbm4b:s23+s4], $0x10, $0x38;
	[tilespmem:$0x10700] =	vst v63  }
.Ltmp50:
0x3ea: {  	_ = 	snop;
	(pc) =	sbr.rel .LBB2_65-.Ltmp50, $4  }
0x3eb: {  	s22 =	sadd.s32 $0x60, s24;
	s23 =	sadd.s32 $0x340, s5  }
0x3ec: {  	[tilespmem:s23], [sflag:$0x1] =	stream.linear.gather [hbm4b:s22+s4], $0x10, $0x38;
	[tilespmem:$0x10700] =	vst v63  }
0x3ed: {  	s28 =	sadd.s32 $0x70, s24;
	s5 =	sadd.s32 $0x3C0, s5  }
0x3ee: {  	[tilespmem:s5], [sflag:$0x1] =	stream.linear.gather [hbm4b:s28+s4], $0x10, $0x38;
	[tilespmem:$0x10700] =	vst v63  }
.LBB2_68:
0x3ef: {  	_ =	sfence.sel $0x180000  }
0x3f0: {  	[bflag:$0x0] =	sbarrier.arrive $0xFFFF  }
0x3f1: {  	_ =	strace $0x90000047  }
0x3f2: {  	s0 =	stileid.u32;
	[bflag:$0x2] =	sbarrier.arrive $0xFFFF  }
0x3f3: {  	p0 =	sne.s32 s0, $0x0;
	s0 =	rddreg [dreg:$0x5]  }
0x3f4: {  	s0 =	sadd.s32 @!p0 $0x100000, s0  }
0x3f5: {  	[sflag:s0] =	ssyncadd.tile.s32 @!p0 $0x1;
	_ =	shalt  }
.Lfunc_end2:
_tile_overlayer_lowered:
.L_overlay_start_2:
0x3f6: {  	(tag) =	ssettag $0x2  }
0x3f7: {  	s0 =	rddreg [dreg:$0x0];
	s2 =	stileid.u32  }
0x3f8: {  	s1 =	rddreg [dreg:$0x1];
	p0 =	sne.s32 s2, $0x0  }
0x3f9: {  	s3 =	rddreg [dreg:$0x2];
	[bflag:$0x3] =	sbarrier.arrive $0xFFFF;
	s2 =	simm.s32 @!p0 $0x1C02  }
0x3fa: {  	[timem:s3], [sflag:s2] =	dma.local @!p0 [hbm:s0], s1  }
0x3fb: {  	s0 =	simm.s32 @!p0 $0x2  }
0x3fc: {  	_ =	swait.ge @!p0 [sflag:s0], s1  }
0x3fd: {  	s1 =	ssub.s32 @!p0 $0x0, s1;
	[sflag:s0] =	ssyncset.done @!p0 $0x0  }
0x3fe: {  	[sflag:s0] =	ssyncadd.s32 @!p0 s1  }
0x3ff: {  	[bflag:$0x3] =	sbarrier.arrive $0xFFFF  }
0x400: {  	_ =	shalt  }

</sc_bundles>
